<compile_context>
chip_gen: v7x
topology: tpu7x:2x2x1
jax: 0.10.2.dev20260603
libtpu: 0.0.44.dev20260713+nightly
codegen_flags: <defaults>
</compile_context>

<pallas_src>
import functools

import jax
import jax.numpy as jnp
from jax import lax
from jax.experimental import pallas as pl
from jax.experimental.pallas import tpu as pltpu
from jax.experimental.pallas import tpu_sc as plsc

N = 20000
SCORE_THRESH = 0.5
IOU_THRESH = 0.8
MAX_DET = 100

NSUB = 16
LANES = 16
PER_SUB = 1280
CHUNKS = PER_SUB // LANES
NPAD = NSUB * PER_SUB
D = 16
FB = NSUB * D
WCAP = 128

NEG = -1e30
BIG = 1e30


def _nms_kernel(x1_h, y1_h, x2_h, y2_h, sc_h, out_h,
                x1_v, y1_v, x2_v, y2_v, sv, stage_v, cblk_v,
                wx1_a, wy1_a, wx2_a, wy2_a, out_v, shared):
    s = lax.axis_index("s")
    base = s * PER_SUB
    base_f = base.astype(jnp.float32)
    sf = s.astype(jnp.float32)
    io = lax.iota(jnp.int32, LANES)
    iof = io.astype(jnp.float32)
    zeros_i = jnp.zeros((LANES,), jnp.int32)
    neg16 = jnp.full((LANES,), NEG, jnp.float32)
    big16 = jnp.full((LANES,), BIG, jnp.float32)
    z16 = jnp.zeros((LANES,), jnp.float32)

    pltpu.sync_copy(x1_h.at[pl.ds(base, PER_SUB)], x1_v)
    pltpu.sync_copy(y1_h.at[pl.ds(base, PER_SUB)], y1_v)
    pltpu.sync_copy(x2_h.at[pl.ds(base, PER_SUB)], x2_v)
    pltpu.sync_copy(y2_h.at[pl.ds(base, PER_SUB)], y2_v)
    pltpu.sync_copy(sc_h.at[pl.ds(base, PER_SUB)], sv)

    def mask_chunk(k):
        sl = pl.ds(k * LANES, LANES)
        v = sv[sl]
        sv[sl] = jnp.where(v > SCORE_THRESH, v, NEG)

    plsc.parallel_loop(0, CHUNKS, unroll=8)(mask_chunk)

    def iou_of(ax1, ay1, ax2, ay2, area_a, bx1, by1, bx2, by2):
        xx1 = jnp.maximum(ax1, bx1)
        yy1 = jnp.maximum(ay1, by1)
        xx2 = jnp.minimum(ax2, bx2)
        yy2 = jnp.minimum(ay2, by2)
        inter = jnp.maximum(xx2 - xx1, 0.0) * jnp.maximum(yy2 - yy1, 0.0)
        area_b = (bx2 - bx1) * (by2 - by1)
        union = area_a + area_b - inter
        return inter / jnp.maximum(union, 1e-9)

    def round_body(carry):
        (t0,) = carry

        def epass(e, c):
            ext_s, ext_p, ls, lp = c

            def am(k, cc):
                rmax, rpos = cc
                v = sv[pl.ds(k * LANES, LANES)]
                pos = (k * LANES).astype(jnp.float32) + iof
                elig = (v < ls) | ((v == ls) & (pos > lp))
                veff = jnp.where(elig, v, NEG)
                rpos = jnp.where(veff > rmax, pos, rpos)
                rmax = jnp.maximum(rmax, veff)
                return rmax, rpos

            rmax, rpos = plsc.parallel_loop(
                0, CHUNKS, unroll=8, carry=(neg16, big16))(am)
            smax = jnp.max(rmax)
            lpos = jnp.min(jnp.where(rmax == smax, rpos, big16))
            ext_s = jnp.where(io == e, smax, ext_s)
            ext_p = jnp.where(io == e, lpos, ext_p)
            return ext_s, ext_p, smax, lpos

        ext_s, ext_p, _, _ = lax.fori_loop(
            0, D, epass, (neg16, big16, jnp.float32(BIG), jnp.float32(-1.0)))

        ext_pi = jnp.clip(ext_p, 0.0, float(PER_SUB - 1)).astype(jnp.int32)
        ex1 = plsc.load_gather(x1_v, [ext_pi])
        ey1 = plsc.load_gather(y1_v, [ext_pi])
        ex2 = plsc.load_gather(x2_v, [ext_pi])
        ey2 = plsc.load_gather(y2_v, [ext_pi])
        keyv = ((base_f + ext_p) * float(LANES) + sf) * float(D) + iof
        stage_v[pl.ds(0, LANES)] = ext_s
        stage_v[pl.ds(LANES, LANES)] = keyv
        stage_v[pl.ds(2 * LANES, LANES)] = ex1
        stage_v[pl.ds(3 * LANES, LANES)] = ey1
        stage_v[pl.ds(4 * LANES, LANES)] = ex2
        stage_v[pl.ds(5 * LANES, LANES)] = ey2
        for f in range(6):
            pltpu.sync_copy(stage_v.at[pl.ds(f * LANES, LANES)],
                            shared.at[pl.ds(f * FB + s * D, LANES)])
        plsc.subcore_barrier()
        pltpu.sync_copy(shared, cblk_v)
        plsc.subcore_barrier()

        b_s = plsc.load_gather(cblk_v, [io * D + (D - 1)])

        cvi = io * D
        cur_s = plsc.load_gather(cblk_v, [cvi])
        cur_k = plsc.load_gather(cblk_v, [cvi + FB])
        cx1 = plsc.load_gather(cblk_v, [cvi + 2 * FB])
        cy1 = plsc.load_gather(cblk_v, [cvi + 3 * FB])
        cx2 = plsc.load_gather(cblk_v, [cvi + 4 * FB])
        cy2 = plsc.load_gather(cblk_v, [cvi + 5 * FB])
        cmax0 = jnp.max(cur_s)
        go0 = cmax0 > NEG
        cont0 = go0 & (t0 < MAX_DET)

        def acc(c):
            (cur_s, cur_k, cx1, cy1, cx2, cy2, exb, a, t, cmax,
             cont) = c
            ck = jnp.min(jnp.where(cur_s == cmax, cur_k, big16))
            cki = ck.astype(jnp.int32)
            cw = lax.shift_right_logical(cki, 4) & (LANES - 1)
            wvi = cw * D + (cki & (D - 1))
            wviv = zeros_i + wvi
            wx1 = plsc.load_gather(cblk_v, [wviv + 2 * FB])
            wy1 = plsc.load_gather(cblk_v, [wviv + 3 * FB])
            wx2 = plsc.load_gather(cblk_v, [wviv + 4 * FB])
            wy2 = plsc.load_gather(cblk_v, [wviv + 5 * FB])
            av = zeros_i + a
            plsc.store_scatter(wx1_a, [av], wx1)
            plsc.store_scatter(wy1_a, [av], wy1)
            plsc.store_scatter(wx2_a, [av], wx2)
            plsc.store_scatter(wy2_a, [av], wy2)

            @pl.when(s == 0)
            def _():
                orow = (jnp.where(io == 0, wx1, 0.0)
                        + jnp.where(io == 1, wy1, 0.0)
                        + jnp.where(io == 2, wx2, 0.0)
                        + jnp.where(io == 3, wy2, 0.0)
                        + jnp.where(io == 4, cmax, 0.0))
                out_v[pl.ds(t * LANES, LANES)] = orow

            area_w = (wx2 - wx1) * (wy2 - wy1)
            iou_c = iou_of(wx1, wy1, wx2, wy2, area_w, cx1, cy1, cx2, cy2)
            deadc = (iou_c > IOU_THRESH) & (cur_s > NEG)
            otherdead = jnp.max(jnp.where(deadc & (io != cw), 1.0, 0.0))
            nwvi = wvi + 1
            exh = (nwvi & (D - 1)) == 0
            gv = zeros_i + jnp.where(exh, wvi, nwvi)
            ns = jnp.where(exh, NEG, plsc.load_gather(cblk_v, [gv]))
            nk = plsc.load_gather(cblk_v, [gv + FB])
            nx1 = plsc.load_gather(cblk_v, [gv + 2 * FB])
            ny1 = plsc.load_gather(cblk_v, [gv + 3 * FB])
            nx2 = plsc.load_gather(cblk_v, [gv + 4 * FB])
            ny2 = plsc.load_gather(cblk_v, [gv + 5 * FB])
            area_n = (nx2 - nx1) * (ny2 - ny1)
            iou_nw = iou_of(nx1, ny1, nx2, ny2, area_n, wx1, wy1, wx2, wy2)
            dinit = jnp.where(iou_nw > IOU_THRESH, 1.0, 0.0)

            def wchunk(ci, dacc):
                wl = pl.ds(ci * LANES, LANES)
                qx1 = wx1_a[wl]
                qy1 = wy1_a[wl]
                qx2 = wx2_a[wl]
                qy2 = wy2_a[wl]
                iou_q = iou_of(nx1, ny1, nx2, ny2, area_n,
                               qx1, qy1, qx2, qy2)
                valid = (ci * LANES + io) < a
                return jnp.maximum(
                    dacc, jnp.where(valid & (iou_q > IOU_THRESH), 1.0, 0.0))

            dvec = lax.fori_loop(0, (a + LANES - 1) // LANES, wchunk, dinit)
            ndead = jnp.max(jnp.where(ns > NEG, dvec, 0.0)) > 0.5
            sel = io == cw
            cur_s = jnp.where(sel, ns, cur_s)
            cur_k = jnp.where(sel, nk, cur_k)
            cx1 = jnp.where(sel, nx1, cx1)
            cy1 = jnp.where(sel, ny1, cy1)
            cx2 = jnp.where(sel, nx2, cx2)
            cy2 = jnp.where(sel, ny2, cy2)
            exb = jnp.where(sel & exh, b_s, exb)
            a = a + 1
            t = t + 1
            cmax2 = jnp.max(cur_s)
            maxb2 = jnp.max(exb)
            cont2 = ((cmax2 > NEG) & (cmax2 > maxb2) & (otherdead < 0.5)
                     & jnp.logical_not(ndead) & (t < MAX_DET))
            return (cur_s, cur_k, cx1, cy1, cx2, cy2, exb, a, t,
                    cmax2, cont2)

        fin = lax.while_loop(
            lambda c: c[-1], acc,
            (cur_s, cur_k, cx1, cy1, cx2, cy2, neg16, jnp.int32(0),
             t0, cmax0, cont0))
        a_f = fin[7]
        t_f = fin[8]

        @pl.when(jnp.logical_not(go0) & (s == 0))
        def _():
            def zfill(tt, _):
                out_v[pl.ds(tt * LANES, LANES)] = z16
                return 0

            lax.fori_loop(t0, MAX_DET, zfill, 0)

        t_next = jnp.where(go0, t_f, jnp.int32(MAX_DET))

        @pl.when(t_next < MAX_DET)
        def _():
            pl.delay(500)

            def wsweep(ai, _):
                aiv = zeros_i + ai
                qx1 = plsc.load_gather(wx1_a, [aiv])
                qy1 = plsc.load_gather(wy1_a, [aiv])
                qx2 = plsc.load_gather(wx2_a, [aiv])
                qy2 = plsc.load_gather(wy2_a, [aiv])
                area_q = (qx2 - qx1) * (qy2 - qy1)

                def sch(k):
                    sl = pl.ds(k * LANES, LANES)
                    v = sv[sl]
                    x1k = x1_v[sl]
                    y1k = y1_v[sl]
                    x2k = x2_v[sl]
                    y2k = y2_v[sl]
                    iou = iou_of(qx1, qy1, qx2, qy2, area_q,
                                 x1k, y1k, x2k, y2k)
                    sv[sl] = jnp.where(iou > IOU_THRESH, NEG, v)

                plsc.parallel_loop(0, CHUNKS, unroll=8)(sch)
                return 0

            lax.fori_loop(0, a_f, wsweep, 0)

        return (t_next,)

    lax.while_loop(lambda c: c[0] < MAX_DET, round_body, (jnp.int32(0),))

    @pl.when(s == 0)
    def _():
        pltpu.sync_copy(out_v, out_h)


@jax.jit
def kernel(boxes, scores):
    pad = NPAD - N
    x1 = jnp.pad(boxes[:, 0], (0, pad))
    y1 = jnp.pad(boxes[:, 1], (0, pad))
    x2 = jnp.pad(boxes[:, 2], (0, pad))
    y2 = jnp.pad(boxes[:, 3], (0, pad))
    sc = jnp.pad(scores, (0, pad), constant_values=-1.0)

    nms = functools.partial(
        pl.kernel,
        out_type=jax.ShapeDtypeStruct((MAX_DET * LANES,), jnp.float32),
        mesh=plsc.VectorSubcoreMesh(
            core_axis_name="c", subcore_axis_name="s", num_cores=1),
        compiler_params=pltpu.CompilerParams(needs_layout_passes=False),
        scratch_types=[
            pltpu.VMEM((PER_SUB,), jnp.float32),
            pltpu.VMEM((PER_SUB,), jnp.float32),
            pltpu.VMEM((PER_SUB,), jnp.float32),
            pltpu.VMEM((PER_SUB,), jnp.float32),
            pltpu.VMEM((PER_SUB,), jnp.float32),
            pltpu.VMEM((6 * LANES,), jnp.float32),
            pltpu.VMEM((6 * FB,), jnp.float32),
            pltpu.VMEM((WCAP,), jnp.float32),
            pltpu.VMEM((WCAP,), jnp.float32),
            pltpu.VMEM((WCAP,), jnp.float32),
            pltpu.VMEM((WCAP,), jnp.float32),
            pltpu.VMEM((MAX_DET * LANES,), jnp.float32),
            pltpu.VMEM_SHARED((6 * FB,), jnp.float32),
        ],
    )(_nms_kernel)
    out = nms(x1, y1, x2, y2, sc)
    return out.reshape(MAX_DET, LANES)[:, :5]

# --- scband reference (transcript-rebuilt; emitter-appended) ---
"""Pipeline reference for scband-detector-46059229282789 (READ-ONLY COPY).

The authoritative reference and input builder live on the scoring server;
editing this copy changes nothing except your own understanding.
"""

import jax, jax.numpy as jnp
import numpy as np

N = 20000
SCORE_THRESH = 0.5
IOU_THRESH = 0.8
MAX_DET = 100


def setup_inputs(seed: int = 0) -> dict:
    key = jax.random.key(seed)
    k1, k2 = jax.random.split(key)
    raw = jax.random.uniform(k1, (N, 4), dtype=jnp.float32) * 1000.0
    x1 = jnp.minimum(raw[:, 0], raw[:, 2])
    y1 = jnp.minimum(raw[:, 1], raw[:, 3])
    x2 = jnp.maximum(raw[:, 0], raw[:, 2]) + 1.0
    y2 = jnp.maximum(raw[:, 1], raw[:, 3]) + 1.0
    boxes = jnp.stack([x1, y1, x2, y2], axis=-1)
    scores = jax.random.uniform(k2, (N,), dtype=jnp.float32)
    return {"boxes": boxes, "scores": scores}


def _iou_one_to_many(box, boxes):
    xx1 = jnp.maximum(box[0], boxes[:, 0])
    yy1 = jnp.maximum(box[1], boxes[:, 1])
    xx2 = jnp.minimum(box[2], boxes[:, 2])
    yy2 = jnp.minimum(box[3], boxes[:, 3])
    inter = jnp.clip(xx2 - xx1, 0.0) * jnp.clip(yy2 - yy1, 0.0)
    area_a = (box[2] - box[0]) * (box[3] - box[1])
    area_b = (boxes[:, 2] - boxes[:, 0]) * (boxes[:, 3] - boxes[:, 1])
    union = area_a + area_b - inter
    return inter / jnp.maximum(union, 1e-9)


def reference(boxes, scores):
    # Detectron2 ROI head test-time postprocessing: score threshold 0.5,
    # greedy NMS with IoU threshold 0.8, keep up to MAX_DET detections.
    active = scores > SCORE_THRESH
    keep_idx = []
    keep_ok = []
    for _ in range(MAX_DET):
        masked = jnp.where(active, scores, -jnp.inf)
        j = jnp.argmax(masked)
        ok = masked[j] > -jnp.inf
        ious = _iou_one_to_many(boxes[j], boxes)
        suppress = ious > IOU_THRESH
        active = jnp.where(ok, active & (~suppress), active)
        active = active.at[j].set(False)
        keep_idx.append(jnp.where(ok, j, 0))
        keep_ok.append(ok)
    keep_idx = jnp.stack(keep_idx)
    keep_ok = jnp.stack(keep_ok)
    kept_boxes = jnp.where(keep_ok[:, None], boxes[keep_idx], 0.0)
    kept_scores = jnp.where(keep_ok, scores[keep_idx], 0.0)
    # [MAX_DET, 5]: x1, y1, x2, y2, score (zero-padded rows when fewer survivors)
    return jnp.concatenate([kept_boxes, kept_scores[:, None]], axis=-1)

if __name__ == "__main__":
    import jax
    _d = setup_inputs()
    print(jax.jit(kernel)(*tuple(_d.values())))

</pallas_src>

<mosaic_0001>
#map = affine_map<(d0, d1) -> (0)>
module attributes {stable_mosaic.version = 14 : i64} {
  func.func @_nms_kernel(%arg0: i32, %arg1: i32, %arg2: memref<20480xf32, #tpu.memory_space<hbm>>, %arg3: memref<20480xf32, #tpu.memory_space<hbm>>, %arg4: memref<20480xf32, #tpu.memory_space<hbm>>, %arg5: memref<20480xf32, #tpu.memory_space<hbm>>, %arg6: memref<20480xf32, #tpu.memory_space<hbm>>, %arg7: memref<1600xf32, #tpu.memory_space<hbm>>, %arg8: memref<1280xf32, #tpu.memory_space<vmem>>, %arg9: memref<1280xf32, #tpu.memory_space<vmem>>, %arg10: memref<1280xf32, #tpu.memory_space<vmem>>, %arg11: memref<1280xf32, #tpu.memory_space<vmem>>, %arg12: memref<1280xf32, #tpu.memory_space<vmem>>, %arg13: memref<96xf32, #tpu.memory_space<vmem>>, %arg14: memref<1536xf32, #tpu.memory_space<vmem>>, %arg15: memref<128xf32, #tpu.memory_space<vmem>>, %arg16: memref<128xf32, #tpu.memory_space<vmem>>, %arg17: memref<128xf32, #tpu.memory_space<vmem>>, %arg18: memref<128xf32, #tpu.memory_space<vmem>>, %arg19: memref<1600xf32, #tpu.memory_space<vmem>>, %arg20: memref<1536xf32, #tpu.memory_space<vmem_shared>>) attributes {dimension_semantics = [#tpu.dimension_semantics<core_parallel>, #tpu.dimension_semantics<subcore_parallel>], iteration_bounds = array<i64: 1, 16>, scalar_prefetch = 0 : i64, scratch_operands = 13 : i64, tpu.core_type = #tpu.core_type<sc_vector_subcore>, window_params = [{transform_indices = #map}, {transform_indices = #map}, {transform_indices = #map}, {transform_indices = #map}, {transform_indices = #map}, {transform_indices = #map}]} {
    %mul3A = arith.constant 1280 : i32
    %mul3A_0 = arith.muli %arg1, %mul3A : i32
    %convert_element_type3A = arith.sitofp %mul3A_0 : i32 to f32
    %convert_element_type3A_1 = arith.sitofp %arg1 : i32 to f32
    %iota3A = tpu.iota {dimensions = array<i32: 0>} : vector<16xi32>
    %convert_element_type3A_2 = arith.sitofp %iota3A : vector<16xi32> to vector<16xf32>
    %broadcast_in_dim3A = arith.constant 0 : i32
    %broadcast_in_dim3A_3 = vector.broadcast %broadcast_in_dim3A : i32 to vector<16xi32>
    %broadcast_in_dim3A_4 = arith.constant -1.000000e+30 : f32
    %broadcast_in_dim3A_5 = vector.broadcast %broadcast_in_dim3A_4 : f32 to vector<16xf32>
    %broadcast_in_dim3A_6 = arith.constant 1.000000e+30 : f32
    %broadcast_in_dim3A_7 = vector.broadcast %broadcast_in_dim3A_6 : f32 to vector<16xf32>
    %broadcast_in_dim3A_8 = arith.constant 0.000000e+00 : f32
    %broadcast_in_dim3A_9 = vector.broadcast %broadcast_in_dim3A_8 : f32 to vector<16xf32>
    "tpu.region"() ({
      %run_scoped3A = tpu.sem_alloc : memref<!tpu.dma_semaphore, #tpu.memory_space<semaphore_mem>>
      %dma_start3A = tpu.memref_slice %arg2[%mul3A_0] : memref<20480xf32, #tpu.memory_space<hbm>> -> memref<1280xf32, #tpu.memory_space<hbm>>
      %dma_start3A_16 = tpu.memref_slice %arg2[%mul3A_0] : memref<20480xf32, #tpu.memory_space<hbm>> -> memref<1280xf32, #tpu.memory_space<hbm>>
      tpu.enqueue_dma source(%dma_start3A_16 : memref<1280xf32, #tpu.memory_space<hbm>>) target(%arg8 : memref<1280xf32, #tpu.memory_space<vmem>>) target_semaphore(%run_scoped3A : memref<!tpu.dma_semaphore, #tpu.memory_space<semaphore_mem>>)
      %dma_wait3A = tpu.memref_slice %arg2[%mul3A_0] : memref<20480xf32, #tpu.memory_space<hbm>> -> memref<1280xf32, #tpu.memory_space<hbm>>
      %dma_wait3A_17 = tpu.memref_slice %arg2[%mul3A_0] : memref<20480xf32, #tpu.memory_space<hbm>> -> memref<1280xf32, #tpu.memory_space<hbm>>
      tpu.wait_dma2 semaphore(%run_scoped3A : memref<!tpu.dma_semaphore, #tpu.memory_space<semaphore_mem>>) src(%dma_wait3A_17 : memref<1280xf32, #tpu.memory_space<hbm>>) dst(%arg8 : memref<1280xf32, #tpu.memory_space<vmem>>)
      tpu.yield
    }) : () -> ()
    "tpu.region"() ({
      %run_scoped3A = tpu.sem_alloc : memref<!tpu.dma_semaphore, #tpu.memory_space<semaphore_mem>>
      %dma_start3A = tpu.memref_slice %arg3[%mul3A_0] : memref<20480xf32, #tpu.memory_space<hbm>> -> memref<1280xf32, #tpu.memory_space<hbm>>
      %dma_start3A_16 = tpu.memref_slice %arg3[%mul3A_0] : memref<20480xf32, #tpu.memory_space<hbm>> -> memref<1280xf32, #tpu.memory_space<hbm>>
      tpu.enqueue_dma source(%dma_start3A_16 : memref<1280xf32, #tpu.memory_space<hbm>>) target(%arg9 : memref<1280xf32, #tpu.memory_space<vmem>>) target_semaphore(%run_scoped3A : memref<!tpu.dma_semaphore, #tpu.memory_space<semaphore_mem>>)
      %dma_wait3A = tpu.memref_slice %arg3[%mul3A_0] : memref<20480xf32, #tpu.memory_space<hbm>> -> memref<1280xf32, #tpu.memory_space<hbm>>
      %dma_wait3A_17 = tpu.memref_slice %arg3[%mul3A_0] : memref<20480xf32, #tpu.memory_space<hbm>> -> memref<1280xf32, #tpu.memory_space<hbm>>
      tpu.wait_dma2 semaphore(%run_scoped3A : memref<!tpu.dma_semaphore, #tpu.memory_space<semaphore_mem>>) src(%dma_wait3A_17 : memref<1280xf32, #tpu.memory_space<hbm>>) dst(%arg9 : memref<1280xf32, #tpu.memory_space<vmem>>)
      tpu.yield
    }) : () -> ()
    "tpu.region"() ({
      %run_scoped3A = tpu.sem_alloc : memref<!tpu.dma_semaphore, #tpu.memory_space<semaphore_mem>>
      %dma_start3A = tpu.memref_slice %arg4[%mul3A_0] : memref<20480xf32, #tpu.memory_space<hbm>> -> memref<1280xf32, #tpu.memory_space<hbm>>
      %dma_start3A_16 = tpu.memref_slice %arg4[%mul3A_0] : memref<20480xf32, #tpu.memory_space<hbm>> -> memref<1280xf32, #tpu.memory_space<hbm>>
      tpu.enqueue_dma source(%dma_start3A_16 : memref<1280xf32, #tpu.memory_space<hbm>>) target(%arg10 : memref<1280xf32, #tpu.memory_space<vmem>>) target_semaphore(%run_scoped3A : memref<!tpu.dma_semaphore, #tpu.memory_space<semaphore_mem>>)
      %dma_wait3A = tpu.memref_slice %arg4[%mul3A_0] : memref<20480xf32, #tpu.memory_space<hbm>> -> memref<1280xf32, #tpu.memory_space<hbm>>
      %dma_wait3A_17 = tpu.memref_slice %arg4[%mul3A_0] : memref<20480xf32, #tpu.memory_space<hbm>> -> memref<1280xf32, #tpu.memory_space<hbm>>
      tpu.wait_dma2 semaphore(%run_scoped3A : memref<!tpu.dma_semaphore, #tpu.memory_space<semaphore_mem>>) src(%dma_wait3A_17 : memref<1280xf32, #tpu.memory_space<hbm>>) dst(%arg10 : memref<1280xf32, #tpu.memory_space<vmem>>)
      tpu.yield
    }) : () -> ()
    "tpu.region"() ({
      %run_scoped3A = tpu.sem_alloc : memref<!tpu.dma_semaphore, #tpu.memory_space<semaphore_mem>>
      %dma_start3A = tpu.memref_slice %arg5[%mul3A_0] : memref<20480xf32, #tpu.memory_space<hbm>> -> memref<1280xf32, #tpu.memory_space<hbm>>
      %dma_start3A_16 = tpu.memref_slice %arg5[%mul3A_0] : memref<20480xf32, #tpu.memory_space<hbm>> -> memref<1280xf32, #tpu.memory_space<hbm>>
      tpu.enqueue_dma source(%dma_start3A_16 : memref<1280xf32, #tpu.memory_space<hbm>>) target(%arg11 : memref<1280xf32, #tpu.memory_space<vmem>>) target_semaphore(%run_scoped3A : memref<!tpu.dma_semaphore, #tpu.memory_space<semaphore_mem>>)
      %dma_wait3A = tpu.memref_slice %arg5[%mul3A_0] : memref<20480xf32, #tpu.memory_space<hbm>> -> memref<1280xf32, #tpu.memory_space<hbm>>
      %dma_wait3A_17 = tpu.memref_slice %arg5[%mul3A_0] : memref<20480xf32, #tpu.memory_space<hbm>> -> memref<1280xf32, #tpu.memory_space<hbm>>
      tpu.wait_dma2 semaphore(%run_scoped3A : memref<!tpu.dma_semaphore, #tpu.memory_space<semaphore_mem>>) src(%dma_wait3A_17 : memref<1280xf32, #tpu.memory_space<hbm>>) dst(%arg11 : memref<1280xf32, #tpu.memory_space<vmem>>)
      tpu.yield
    }) : () -> ()
    "tpu.region"() ({
      %run_scoped3A = tpu.sem_alloc : memref<!tpu.dma_semaphore, #tpu.memory_space<semaphore_mem>>
      %dma_start3A = tpu.memref_slice %arg6[%mul3A_0] : memref<20480xf32, #tpu.memory_space<hbm>> -> memref<1280xf32, #tpu.memory_space<hbm>>
      %dma_start3A_16 = tpu.memref_slice %arg6[%mul3A_0] : memref<20480xf32, #tpu.memory_space<hbm>> -> memref<1280xf32, #tpu.memory_space<hbm>>
      tpu.enqueue_dma source(%dma_start3A_16 : memref<1280xf32, #tpu.memory_space<hbm>>) target(%arg12 : memref<1280xf32, #tpu.memory_space<vmem>>) target_semaphore(%run_scoped3A : memref<!tpu.dma_semaphore, #tpu.memory_space<semaphore_mem>>)
      %dma_wait3A = tpu.memref_slice %arg6[%mul3A_0] : memref<20480xf32, #tpu.memory_space<hbm>> -> memref<1280xf32, #tpu.memory_space<hbm>>
      %dma_wait3A_17 = tpu.memref_slice %arg6[%mul3A_0] : memref<20480xf32, #tpu.memory_space<hbm>> -> memref<1280xf32, #tpu.memory_space<hbm>>
      tpu.wait_dma2 semaphore(%run_scoped3A : memref<!tpu.dma_semaphore, #tpu.memory_space<semaphore_mem>>) src(%dma_wait3A_17 : memref<1280xf32, #tpu.memory_space<hbm>>) dst(%arg12 : memref<1280xf32, #tpu.memory_space<vmem>>)
      tpu.yield
    }) : () -> ()
    %parallel_loop3A = arith.constant 0 : i32
    %parallel_loop3A_10 = arith.constant 80 : i32
    %parallel_loop3A_11 = arith.constant 1 : i32
    scf.for %parallel_loop3A_16 = %parallel_loop3A to %parallel_loop3A_10 step %parallel_loop3A_11  : i32 {
      %parallel_loop3A_17 = arith.constant 16 : i32
      %parallel_loop3A_18 = arith.muli %parallel_loop3A_16, %parallel_loop3A_17 : i32
      %parallel_loop3A_19 = arith.index_cast %parallel_loop3A_18 : i32 to index
      %parallel_loop3A_20 = tpu.vector_load %arg12[%parallel_loop3A_19] {strides = array<i32>} : memref<1280xf32, #tpu.memory_space<vmem>>, vector<16xf32>,
      %parallel_loop3A_21 = arith.constant 5.000000e-01 : f32
      %parallel_loop3A_22 = vector.broadcast %parallel_loop3A_21 : f32 to vector<16xf32>
      %parallel_loop3A_23 = arith.cmpf ogt, %parallel_loop3A_20, %parallel_loop3A_22 : vector<16xf32>
      %parallel_loop3A_24 = arith.constant -1.000000e+30 : f32
      %parallel_loop3A_25 = vector.broadcast %parallel_loop3A_24 : f32 to vector<16xf32>
      %parallel_loop3A_26 = arith.select %parallel_loop3A_23, %parallel_loop3A_20, %parallel_loop3A_25 : vector<16xi1>, vector<16xf32>
      %parallel_loop3A_27 = arith.index_cast %parallel_loop3A_18 : i32 to index
      %parallel_loop3A_28 = tpu.vector_load %arg12[%parallel_loop3A_27] {strides = array<i32>} : memref<1280xf32, #tpu.memory_space<vmem>>, vector<16xf32>,
      tpu.vector_store %arg12[%parallel_loop3A_27], %parallel_loop3A_26 {strides = array<i32>} : memref<1280xf32, #tpu.memory_space<vmem>>, vector<16xf32>,
    } {sc.loop_unroll_factor = 8 : i64, sc.parallel_access}
    %while3A = arith.constant 0 : i32
    %while3A_12 = scf.while (%while3A_16 = %while3A) : (i32) -> i32 {
      %lt3A = arith.constant 100 : i32
      %lt3A_17 = arith.cmpi slt, %while3A_16, %lt3A : i32
      scf.condition(%lt3A_17) %while3A_16 : i32
    } do {
    ^bb0(%while3A_16: i32):
      %scan3A = arith.constant 1.000000e+30 : f32
      %scan3A_17 = arith.constant -1.000000e+00 : f32
      %scan3A_18 = arith.constant 0 : i32
      %scan3A_19 = arith.constant 16 : i32
      %scan3A_20 = arith.addi %scan3A_18, %scan3A_19 : i32
      %scan3A_21 = arith.constant 1 : i32
      %scan3A_22:4 = scf.for %scan3A_128 = %scan3A_18 to %scan3A_20 step %scan3A_21 iter_args(%scan3A_129 = %broadcast_in_dim3A_5, %scan3A_130 = %broadcast_in_dim3A_7, %scan3A_131 = %scan3A, %scan3A_132 = %scan3A_17) -> (vector<16xf32>, vector<16xf32>, f32, f32)  : i32 {
        %parallel_loop3A_133 = arith.constant 0 : i32
        %parallel_loop3A_134 = arith.constant 80 : i32
        %parallel_loop3A_135 = arith.constant 1 : i32
        %parallel_loop3A_136:2 = scf.for %parallel_loop3A_155 = %parallel_loop3A_133 to %parallel_loop3A_134 step %parallel_loop3A_135 iter_args(%parallel_loop3A_156 = %broadcast_in_dim3A_5, %parallel_loop3A_157 = %broadcast_in_dim3A_7) -> (vector<16xf32>, vector<16xf32>)  : i32 {
          %parallel_loop3A_158 = arith.constant 16 : i32
          %parallel_loop3A_159 = arith.muli %parallel_loop3A_155, %parallel_loop3A_158 : i32
          %parallel_loop3A_160 = arith.index_cast %parallel_loop3A_159 : i32 to index
          %parallel_loop3A_161 = tpu.vector_load %arg12[%parallel_loop3A_160] {strides = array<i32>} : memref<1280xf32, #tpu.memory_space<vmem>>, vector<16xf32>,
          %parallel_loop3A_162 = arith.constant 16 : i32
          %parallel_loop3A_163 = arith.muli %parallel_loop3A_155, %parallel_loop3A_162 : i32
          %parallel_loop3A_164 = arith.sitofp %parallel_loop3A_163 : i32 to f32
          %parallel_loop3A_165 = vector.broadcast %parallel_loop3A_164 : f32 to vector<16xf32>
          %parallel_loop3A_166 = arith.addf %parallel_loop3A_165, %convert_element_type3A_2 : vector<16xf32>
          %parallel_loop3A_167 = vector.broadcast %scan3A_131 : f32 to vector<16xf32>
          %parallel_loop3A_168 = arith.cmpf olt, %parallel_loop3A_161, %parallel_loop3A_167 : vector<16xf32>
          %parallel_loop3A_169 = vector.broadcast %scan3A_131 : f32 to vector<16xf32>
          %parallel_loop3A_170 = arith.cmpf oeq, %parallel_loop3A_161, %parallel_loop3A_169 : vector<16xf32>
          %parallel_loop3A_171 = vector.broadcast %scan3A_132 : f32 to vector<16xf32>
          %parallel_loop3A_172 = arith.cmpf ogt, %parallel_loop3A_166, %parallel_loop3A_171 : vector<16xf32>
          %parallel_loop3A_173 = arith.andi %parallel_loop3A_170, %parallel_loop3A_172 : vector<16xi1>
          %parallel_loop3A_174 = arith.ori %parallel_loop3A_168, %parallel_loop3A_173 : vector<16xi1>
          %parallel_loop3A_175 = arith.constant -1.000000e+30 : f32
          %parallel_loop3A_176 = vector.broadcast %parallel_loop3A_175 : f32 to vector<16xf32>
          %parallel_loop3A_177 = arith.select %parallel_loop3A_174, %parallel_loop3A_161, %parallel_loop3A_176 : vector<16xi1>, vector<16xf32>
          %parallel_loop3A_178 = arith.cmpf ogt, %parallel_loop3A_177, %parallel_loop3A_156 : vector<16xf32>
          %parallel_loop3A_179 = arith.select %parallel_loop3A_178, %parallel_loop3A_166, %parallel_loop3A_157 : vector<16xi1>, vector<16xf32>
          %parallel_loop3A_180 = arith.maximumf %parallel_loop3A_156, %parallel_loop3A_177 : vector<16xf32>
          scf.yield %parallel_loop3A_180, %parallel_loop3A_179 : vector<16xf32>, vector<16xf32>
        } {sc.loop_unroll_factor = 8 : i64, sc.parallel_access}
        %reduce_max3A_137 = arith.constant true
        %reduce_max3A_138 = vector.broadcast %reduce_max3A_137 : i1 to vector<16xi1>
        %reduce_max3A_139 = tpu.scan <max>, %parallel_loop3A_136#0 masked %reduce_max3A_138 : vector<16xf32>, vector<16xi1> -> vector<16xf32>
        %reduce_max3A_140 = vector.extract %reduce_max3A_139[15] : f32 from vector<16xf32>
        %eq3A_141 = vector.broadcast %reduce_max3A_140 : f32 to vector<16xf32>
        %eq3A_142 = arith.cmpf oeq, %parallel_loop3A_136#0, %eq3A_141 : vector<16xf32>
        %select_n3A_143 = arith.select %eq3A_142, %parallel_loop3A_136#1, %broadcast_in_dim3A_7 : vector<16xi1>, vector<16xf32>
        %reduce_min3A = arith.constant true
        %reduce_min3A_144 = vector.broadcast %reduce_min3A : i1 to vector<16xi1>
        %reduce_min3A_145 = tpu.scan <min>, %select_n3A_143 masked %reduce_min3A_144 : vector<16xf32>, vector<16xi1> -> vector<16xf32>
        %reduce_min3A_146 = vector.extract %reduce_min3A_145[15] : f32 from vector<16xf32>
        %eq3A_147 = vector.broadcast %scan3A_128 : i32 to vector<16xi32>
        %eq3A_148 = arith.cmpi eq, %iota3A, %eq3A_147 : vector<16xi32>
        %broadcast_in_dim3A_149 = vector.broadcast %reduce_max3A_140 : f32 to vector<16xf32>
        %select_n3A_150 = arith.select %eq3A_148, %broadcast_in_dim3A_149, %scan3A_129 : vector<16xi1>, vector<16xf32>
        %eq3A_151 = vector.broadcast %scan3A_128 : i32 to vector<16xi32>
        %eq3A_152 = arith.cmpi eq, %iota3A, %eq3A_151 : vector<16xi32>
        %broadcast_in_dim3A_153 = vector.broadcast %reduce_min3A_146 : f32 to vector<16xf32>
        %select_n3A_154 = arith.select %eq3A_152, %broadcast_in_dim3A_153, %scan3A_130 : vector<16xi1>, vector<16xf32>
        scf.yield %select_n3A_150, %select_n3A_154, %reduce_max3A_140, %reduce_min3A_146 : vector<16xf32>, vector<16xf32>, f32, f32
      }
      %scan3A_23 = arith.constant 16 : i32
      %jit3A = arith.constant 0.000000e+00 : f32
      %jit3A_24 = arith.constant 1.279000e+03 : f32
      %max3A = vector.broadcast %jit3A : f32 to vector<16xf32>
      %max3A_25 = arith.maximumf %max3A, %scan3A_22#1 : vector<16xf32>
      %min3A = vector.broadcast %jit3A_24 : f32 to vector<16xf32>
      %min3A_26 = arith.minimumf %min3A, %max3A_25 : vector<16xf32>
      %convert_element_type3A_27 = arith.fptosi %min3A_26 : vector<16xf32> to vector<16xi32>
      %gather3A = tpu.vector_load_idx %arg8[%convert_element_type3A_27] : memref<1280xf32, #tpu.memory_space<vmem>>[vector<16xi32>], vector<16xf32>,
      %gather3A_28 = tpu.vector_load_idx %arg9[%convert_element_type3A_27] : memref<1280xf32, #tpu.memory_space<vmem>>[vector<16xi32>], vector<16xf32>,
      %gather3A_29 = tpu.vector_load_idx %arg10[%convert_element_type3A_27] : memref<1280xf32, #tpu.memory_space<vmem>>[vector<16xi32>], vector<16xf32>,
      %gather3A_30 = tpu.vector_load_idx %arg11[%convert_element_type3A_27] : memref<1280xf32, #tpu.memory_space<vmem>>[vector<16xi32>], vector<16xf32>,
      %add3A = vector.broadcast %convert_element_type3A : f32 to vector<16xf32>
      %add3A_31 = arith.addf %add3A, %scan3A_22#1 : vector<16xf32>
      %mul3A_32 = arith.constant 1.600000e+01 : f32
      %mul3A_33 = vector.broadcast %mul3A_32 : f32 to vector<16xf32>
      %mul3A_34 = arith.mulf %add3A_31, %mul3A_33 : vector<16xf32>
      %add3A_35 = vector.broadcast %convert_element_type3A_1 : f32 to vector<16xf32>
      %add3A_36 = arith.addf %mul3A_34, %add3A_35 : vector<16xf32>
      %mul3A_37 = arith.constant 1.600000e+01 : f32
      %mul3A_38 = vector.broadcast %mul3A_37 : f32 to vector<16xf32>
      %mul3A_39 = arith.mulf %add3A_36, %mul3A_38 : vector<16xf32>
      %add3A_40 = arith.addf %mul3A_39, %convert_element_type3A_2 : vector<16xf32>
      %swap3A = arith.constant 0 : index
      %swap3A_41 = tpu.vector_load %arg13[%swap3A] {strides = array<i32>} : memref<96xf32, #tpu.memory_space<vmem>>, vector<16xf32>,
      tpu.vector_store %arg13[%swap3A], %scan3A_22#0 {strides = array<i32>} : memref<96xf32, #tpu.memory_space<vmem>>, vector<16xf32>,
      %swap3A_42 = arith.constant 16 : index
      %swap3A_43 = tpu.vector_load %arg13[%swap3A_42] {strides = array<i32>} : memref<96xf32, #tpu.memory_space<vmem>>, vector<16xf32>,
      tpu.vector_store %arg13[%swap3A_42], %add3A_40 {strides = array<i32>} : memref<96xf32, #tpu.memory_space<vmem>>, vector<16xf32>,
      %swap3A_44 = arith.constant 32 : index
      %swap3A_45 = tpu.vector_load %arg13[%swap3A_44] {strides = array<i32>} : memref<96xf32, #tpu.memory_space<vmem>>, vector<16xf32>,
      tpu.vector_store %arg13[%swap3A_44], %gather3A {strides = array<i32>} : memref<96xf32, #tpu.memory_space<vmem>>, vector<16xf32>,
      %swap3A_46 = arith.constant 48 : index
      %swap3A_47 = tpu.vector_load %arg13[%swap3A_46] {strides = array<i32>} : memref<96xf32, #tpu.memory_space<vmem>>, vector<16xf32>,
      tpu.vector_store %arg13[%swap3A_46], %gather3A_28 {strides = array<i32>} : memref<96xf32, #tpu.memory_space<vmem>>, vector<16xf32>,
      %swap3A_48 = arith.constant 64 : index
      %swap3A_49 = tpu.vector_load %arg13[%swap3A_48] {strides = array<i32>} : memref<96xf32, #tpu.memory_space<vmem>>, vector<16xf32>,
      tpu.vector_store %arg13[%swap3A_48], %gather3A_29 {strides = array<i32>} : memref<96xf32, #tpu.memory_space<vmem>>, vector<16xf32>,
      %swap3A_50 = arith.constant 80 : index
      %swap3A_51 = tpu.vector_load %arg13[%swap3A_50] {strides = array<i32>} : memref<96xf32, #tpu.memory_space<vmem>>, vector<16xf32>,
      tpu.vector_store %arg13[%swap3A_50], %gather3A_30 {strides = array<i32>} : memref<96xf32, #tpu.memory_space<vmem>>, vector<16xf32>,
      %mul3A_52 = arith.constant 16 : i32
      %mul3A_53 = arith.muli %arg1, %mul3A_52 : i32
      %add3A_54 = arith.constant 0 : i32
      %add3A_55 = arith.addi %add3A_54, %mul3A_53 : i32
      "tpu.region"() ({
        %run_scoped3A = tpu.sem_alloc : memref<!tpu.dma_semaphore, #tpu.memory_space<semaphore_mem>>
        %dma_start3A = arith.constant 0 : i32
        %dma_start3A_128 = tpu.memref_slice %arg13[%dma_start3A] : memref<96xf32, #tpu.memory_space<vmem>> -> memref<16xf32, #tpu.memory_space<vmem>>
        %dma_start3A_129 = tpu.memref_slice %arg20[%add3A_55] : memref<1536xf32, #tpu.memory_space<vmem_shared>> -> memref<16xf32, #tpu.memory_space<vmem_shared>>
        %dma_start3A_130 = tpu.memref_slice %arg20[%add3A_55] : memref<1536xf32, #tpu.memory_space<vmem_shared>> -> memref<16xf32, #tpu.memory_space<vmem_shared>>
        %dma_start3A_131 = arith.constant 0 : i32
        %dma_start3A_132 = tpu.memref_slice %arg13[%dma_start3A_131] : memref<96xf32, #tpu.memory_space<vmem>> -> memref<16xf32, #tpu.memory_space<vmem>>
        tpu.enqueue_dma source(%dma_start3A_132 : memref<16xf32, #tpu.memory_space<vmem>>) target(%dma_start3A_130 : memref<16xf32, #tpu.memory_space<vmem_shared>>) target_semaphore(%run_scoped3A : memref<!tpu.dma_semaphore, #tpu.memory_space<semaphore_mem>>)
        %dma_wait3A = arith.constant 0 : i32
        %dma_wait3A_133 = tpu.memref_slice %arg13[%dma_wait3A] : memref<96xf32, #tpu.memory_space<vmem>> -> memref<16xf32, #tpu.memory_space<vmem>>
        %dma_wait3A_134 = tpu.memref_slice %arg20[%add3A_55] : memref<1536xf32, #tpu.memory_space<vmem_shared>> -> memref<16xf32, #tpu.memory_space<vmem_shared>>
        %dma_wait3A_135 = tpu.memref_slice %arg20[%add3A_55] : memref<1536xf32, #tpu.memory_space<vmem_shared>> -> memref<16xf32, #tpu.memory_space<vmem_shared>>
        %dma_wait3A_136 = arith.constant 0 : i32
        %dma_wait3A_137 = tpu.memref_slice %arg13[%dma_wait3A_136] : memref<96xf32, #tpu.memory_space<vmem>> -> memref<16xf32, #tpu.memory_space<vmem>>
        tpu.wait_dma2 semaphore(%run_scoped3A : memref<!tpu.dma_semaphore, #tpu.memory_space<semaphore_mem>>) src(%dma_wait3A_137 : memref<16xf32, #tpu.memory_space<vmem>>) dst(%dma_wait3A_135 : memref<16xf32, #tpu.memory_space<vmem_shared>>)
        tpu.yield
      }) : () -> ()
      %mul3A_56 = arith.constant 16 : i32
      %mul3A_57 = arith.muli %arg1, %mul3A_56 : i32
      %add3A_58 = arith.constant 256 : i32
      %add3A_59 = arith.addi %add3A_58, %mul3A_57 : i32
      "tpu.region"() ({
        %run_scoped3A = tpu.sem_alloc : memref<!tpu.dma_semaphore, #tpu.memory_space<semaphore_mem>>
        %dma_start3A = arith.constant 16 : i32
        %dma_start3A_128 = tpu.memref_slice %arg13[%dma_start3A] : memref<96xf32, #tpu.memory_space<vmem>> -> memref<16xf32, #tpu.memory_space<vmem>>
        %dma_start3A_129 = tpu.memref_slice %arg20[%add3A_59] : memref<1536xf32, #tpu.memory_space<vmem_shared>> -> memref<16xf32, #tpu.memory_space<vmem_shared>>
        %dma_start3A_130 = tpu.memref_slice %arg20[%add3A_59] : memref<1536xf32, #tpu.memory_space<vmem_shared>> -> memref<16xf32, #tpu.memory_space<vmem_shared>>
        %dma_start3A_131 = arith.constant 16 : i32
        %dma_start3A_132 = tpu.memref_slice %arg13[%dma_start3A_131] : memref<96xf32, #tpu.memory_space<vmem>> -> memref<16xf32, #tpu.memory_space<vmem>>
        tpu.enqueue_dma source(%dma_start3A_132 : memref<16xf32, #tpu.memory_space<vmem>>) target(%dma_start3A_130 : memref<16xf32, #tpu.memory_space<vmem_shared>>) target_semaphore(%run_scoped3A : memref<!tpu.dma_semaphore, #tpu.memory_space<semaphore_mem>>)
        %dma_wait3A = arith.constant 16 : i32
        %dma_wait3A_133 = tpu.memref_slice %arg13[%dma_wait3A] : memref<96xf32, #tpu.memory_space<vmem>> -> memref<16xf32, #tpu.memory_space<vmem>>
        %dma_wait3A_134 = tpu.memref_slice %arg20[%add3A_59] : memref<1536xf32, #tpu.memory_space<vmem_shared>> -> memref<16xf32, #tpu.memory_space<vmem_shared>>
        %dma_wait3A_135 = tpu.memref_slice %arg20[%add3A_59] : memref<1536xf32, #tpu.memory_space<vmem_shared>> -> memref<16xf32, #tpu.memory_space<vmem_shared>>
        %dma_wait3A_136 = arith.constant 16 : i32
        %dma_wait3A_137 = tpu.memref_slice %arg13[%dma_wait3A_136] : memref<96xf32, #tpu.memory_space<vmem>> -> memref<16xf32, #tpu.memory_space<vmem>>
        tpu.wait_dma2 semaphore(%run_scoped3A : memref<!tpu.dma_semaphore, #tpu.memory_space<semaphore_mem>>) src(%dma_wait3A_137 : memref<16xf32, #tpu.memory_space<vmem>>) dst(%dma_wait3A_135 : memref<16xf32, #tpu.memory_space<vmem_shared>>)
        tpu.yield
      }) : () -> ()
      %mul3A_60 = arith.constant 16 : i32
      %mul3A_61 = arith.muli %arg1, %mul3A_60 : i32
      %add3A_62 = arith.constant 512 : i32
      %add3A_63 = arith.addi %add3A_62, %mul3A_61 : i32
      "tpu.region"() ({
        %run_scoped3A = tpu.sem_alloc : memref<!tpu.dma_semaphore, #tpu.memory_space<semaphore_mem>>
        %dma_start3A = arith.constant 32 : i32
        %dma_start3A_128 = tpu.memref_slice %arg13[%dma_start3A] : memref<96xf32, #tpu.memory_space<vmem>> -> memref<16xf32, #tpu.memory_space<vmem>>
        %dma_start3A_129 = tpu.memref_slice %arg20[%add3A_63] : memref<1536xf32, #tpu.memory_space<vmem_shared>> -> memref<16xf32, #tpu.memory_space<vmem_shared>>
        %dma_start3A_130 = tpu.memref_slice %arg20[%add3A_63] : memref<1536xf32, #tpu.memory_space<vmem_shared>> -> memref<16xf32, #tpu.memory_space<vmem_shared>>
        %dma_start3A_131 = arith.constant 32 : i32
        %dma_start3A_132 = tpu.memref_slice %arg13[%dma_start3A_131] : memref<96xf32, #tpu.memory_space<vmem>> -> memref<16xf32, #tpu.memory_space<vmem>>
        tpu.enqueue_dma source(%dma_start3A_132 : memref<16xf32, #tpu.memory_space<vmem>>) target(%dma_start3A_130 : memref<16xf32, #tpu.memory_space<vmem_shared>>) target_semaphore(%run_scoped3A : memref<!tpu.dma_semaphore, #tpu.memory_space<semaphore_mem>>)
        %dma_wait3A = arith.constant 32 : i32
        %dma_wait3A_133 = tpu.memref_slice %arg13[%dma_wait3A] : memref<96xf32, #tpu.memory_space<vmem>> -> memref<16xf32, #tpu.memory_space<vmem>>
        %dma_wait3A_134 = tpu.memref_slice %arg20[%add3A_63] : memref<1536xf32, #tpu.memory_space<vmem_shared>> -> memref<16xf32, #tpu.memory_space<vmem_shared>>
        %dma_wait3A_135 = tpu.memref_slice %arg20[%add3A_63] : memref<1536xf32, #tpu.memory_space<vmem_shared>> -> memref<16xf32, #tpu.memory_space<vmem_shared>>
        %dma_wait3A_136 = arith.constant 32 : i32
        %dma_wait3A_137 = tpu.memref_slice %arg13[%dma_wait3A_136] : memref<96xf32, #tpu.memory_space<vmem>> -> memref<16xf32, #tpu.memory_space<vmem>>
        tpu.wait_dma2 semaphore(%run_scoped3A : memref<!tpu.dma_semaphore, #tpu.memory_space<semaphore_mem>>) src(%dma_wait3A_137 : memref<16xf32, #tpu.memory_space<vmem>>) dst(%dma_wait3A_135 : memref<16xf32, #tpu.memory_space<vmem_shared>>)
        tpu.yield
      }) : () -> ()
      %mul3A_64 = arith.constant 16 : i32
      %mul3A_65 = arith.muli %arg1, %mul3A_64 : i32
      %add3A_66 = arith.constant 768 : i32
      %add3A_67 = arith.addi %add3A_66, %mul3A_65 : i32
      "tpu.region"() ({
        %run_scoped3A = tpu.sem_alloc : memref<!tpu.dma_semaphore, #tpu.memory_space<semaphore_mem>>
        %dma_start3A = arith.constant 48 : i32
        %dma_start3A_128 = tpu.memref_slice %arg13[%dma_start3A] : memref<96xf32, #tpu.memory_space<vmem>> -> memref<16xf32, #tpu.memory_space<vmem>>
        %dma_start3A_129 = tpu.memref_slice %arg20[%add3A_67] : memref<1536xf32, #tpu.memory_space<vmem_shared>> -> memref<16xf32, #tpu.memory_space<vmem_shared>>
        %dma_start3A_130 = tpu.memref_slice %arg20[%add3A_67] : memref<1536xf32, #tpu.memory_space<vmem_shared>> -> memref<16xf32, #tpu.memory_space<vmem_shared>>
        %dma_start3A_131 = arith.constant 48 : i32
        %dma_start3A_132 = tpu.memref_slice %arg13[%dma_start3A_131] : memref<96xf32, #tpu.memory_space<vmem>> -> memref<16xf32, #tpu.memory_space<vmem>>
        tpu.enqueue_dma source(%dma_start3A_132 : memref<16xf32, #tpu.memory_space<vmem>>) target(%dma_start3A_130 : memref<16xf32, #tpu.memory_space<vmem_shared>>) target_semaphore(%run_scoped3A : memref<!tpu.dma_semaphore, #tpu.memory_space<semaphore_mem>>)
        %dma_wait3A = arith.constant 48 : i32
        %dma_wait3A_133 = tpu.memref_slice %arg13[%dma_wait3A] : memref<96xf32, #tpu.memory_space<vmem>> -> memref<16xf32, #tpu.memory_space<vmem>>
        %dma_wait3A_134 = tpu.memref_slice %arg20[%add3A_67] : memref<1536xf32, #tpu.memory_space<vmem_shared>> -> memref<16xf32, #tpu.memory_space<vmem_shared>>
        %dma_wait3A_135 = tpu.memref_slice %arg20[%add3A_67] : memref<1536xf32, #tpu.memory_space<vmem_shared>> -> memref<16xf32, #tpu.memory_space<vmem_shared>>
        %dma_wait3A_136 = arith.constant 48 : i32
        %dma_wait3A_137 = tpu.memref_slice %arg13[%dma_wait3A_136] : memref<96xf32, #tpu.memory_space<vmem>> -> memref<16xf32, #tpu.memory_space<vmem>>
        tpu.wait_dma2 semaphore(%run_scoped3A : memref<!tpu.dma_semaphore, #tpu.memory_space<semaphore_mem>>) src(%dma_wait3A_137 : memref<16xf32, #tpu.memory_space<vmem>>) dst(%dma_wait3A_135 : memref<16xf32, #tpu.memory_space<vmem_shared>>)
        tpu.yield
      }) : () -> ()
      %mul3A_68 = arith.constant 16 : i32
      %mul3A_69 = arith.muli %arg1, %mul3A_68 : i32
      %add3A_70 = arith.constant 1024 : i32
      %add3A_71 = arith.addi %add3A_70, %mul3A_69 : i32
      "tpu.region"() ({
        %run_scoped3A = tpu.sem_alloc : memref<!tpu.dma_semaphore, #tpu.memory_space<semaphore_mem>>
        %dma_start3A = arith.constant 64 : i32
        %dma_start3A_128 = tpu.memref_slice %arg13[%dma_start3A] : memref<96xf32, #tpu.memory_space<vmem>> -> memref<16xf32, #tpu.memory_space<vmem>>
        %dma_start3A_129 = tpu.memref_slice %arg20[%add3A_71] : memref<1536xf32, #tpu.memory_space<vmem_shared>> -> memref<16xf32, #tpu.memory_space<vmem_shared>>
        %dma_start3A_130 = tpu.memref_slice %arg20[%add3A_71] : memref<1536xf32, #tpu.memory_space<vmem_shared>> -> memref<16xf32, #tpu.memory_space<vmem_shared>>
        %dma_start3A_131 = arith.constant 64 : i32
        %dma_start3A_132 = tpu.memref_slice %arg13[%dma_start3A_131] : memref<96xf32, #tpu.memory_space<vmem>> -> memref<16xf32, #tpu.memory_space<vmem>>
        tpu.enqueue_dma source(%dma_start3A_132 : memref<16xf32, #tpu.memory_space<vmem>>) target(%dma_start3A_130 : memref<16xf32, #tpu.memory_space<vmem_shared>>) target_semaphore(%run_scoped3A : memref<!tpu.dma_semaphore, #tpu.memory_space<semaphore_mem>>)
        %dma_wait3A = arith.constant 64 : i32
        %dma_wait3A_133 = tpu.memref_slice %arg13[%dma_wait3A] : memref<96xf32, #tpu.memory_space<vmem>> -> memref<16xf32, #tpu.memory_space<vmem>>
        %dma_wait3A_134 = tpu.memref_slice %arg20[%add3A_71] : memref<1536xf32, #tpu.memory_space<vmem_shared>> -> memref<16xf32, #tpu.memory_space<vmem_shared>>
        %dma_wait3A_135 = tpu.memref_slice %arg20[%add3A_71] : memref<1536xf32, #tpu.memory_space<vmem_shared>> -> memref<16xf32, #tpu.memory_space<vmem_shared>>
        %dma_wait3A_136 = arith.constant 64 : i32
        %dma_wait3A_137 = tpu.memref_slice %arg13[%dma_wait3A_136] : memref<96xf32, #tpu.memory_space<vmem>> -> memref<16xf32, #tpu.memory_space<vmem>>
        tpu.wait_dma2 semaphore(%run_scoped3A : memref<!tpu.dma_semaphore, #tpu.memory_space<semaphore_mem>>) src(%dma_wait3A_137 : memref<16xf32, #tpu.memory_space<vmem>>) dst(%dma_wait3A_135 : memref<16xf32, #tpu.memory_space<vmem_shared>>)
        tpu.yield
      }) : () -> ()
      %mul3A_72 = arith.constant 16 : i32
      %mul3A_73 = arith.muli %arg1, %mul3A_72 : i32
      %add3A_74 = arith.constant 1280 : i32
      %add3A_75 = arith.addi %add3A_74, %mul3A_73 : i32
      "tpu.region"() ({
        %run_scoped3A = tpu.sem_alloc : memref<!tpu.dma_semaphore, #tpu.memory_space<semaphore_mem>>
        %dma_start3A = arith.constant 80 : i32
        %dma_start3A_128 = tpu.memref_slice %arg13[%dma_start3A] : memref<96xf32, #tpu.memory_space<vmem>> -> memref<16xf32, #tpu.memory_space<vmem>>
        %dma_start3A_129 = tpu.memref_slice %arg20[%add3A_75] : memref<1536xf32, #tpu.memory_space<vmem_shared>> -> memref<16xf32, #tpu.memory_space<vmem_shared>>
        %dma_start3A_130 = tpu.memref_slice %arg20[%add3A_75] : memref<1536xf32, #tpu.memory_space<vmem_shared>> -> memref<16xf32, #tpu.memory_space<vmem_shared>>
        %dma_start3A_131 = arith.constant 80 : i32
        %dma_start3A_132 = tpu.memref_slice %arg13[%dma_start3A_131] : memref<96xf32, #tpu.memory_space<vmem>> -> memref<16xf32, #tpu.memory_space<vmem>>
        tpu.enqueue_dma source(%dma_start3A_132 : memref<16xf32, #tpu.memory_space<vmem>>) target(%dma_start3A_130 : memref<16xf32, #tpu.memory_space<vmem_shared>>) target_semaphore(%run_scoped3A : memref<!tpu.dma_semaphore, #tpu.memory_space<semaphore_mem>>)
        %dma_wait3A = arith.constant 80 : i32
        %dma_wait3A_133 = tpu.memref_slice %arg13[%dma_wait3A] : memref<96xf32, #tpu.memory_space<vmem>> -> memref<16xf32, #tpu.memory_space<vmem>>
        %dma_wait3A_134 = tpu.memref_slice %arg20[%add3A_75] : memref<1536xf32, #tpu.memory_space<vmem_shared>> -> memref<16xf32, #tpu.memory_space<vmem_shared>>
        %dma_wait3A_135 = tpu.memref_slice %arg20[%add3A_75] : memref<1536xf32, #tpu.memory_space<vmem_shared>> -> memref<16xf32, #tpu.memory_space<vmem_shared>>
        %dma_wait3A_136 = arith.constant 80 : i32
        %dma_wait3A_137 = tpu.memref_slice %arg13[%dma_wait3A_136] : memref<96xf32, #tpu.memory_space<vmem>> -> memref<16xf32, #tpu.memory_space<vmem>>
        tpu.wait_dma2 semaphore(%run_scoped3A : memref<!tpu.dma_semaphore, #tpu.memory_space<semaphore_mem>>) src(%dma_wait3A_137 : memref<16xf32, #tpu.memory_space<vmem>>) dst(%dma_wait3A_135 : memref<16xf32, #tpu.memory_space<vmem_shared>>)
        tpu.yield
      }) : () -> ()
      %barrier3A = arith.constant 0 : index
      tpu.barrier barrier_id(%barrier3A)
      "tpu.region"() ({
        %run_scoped3A = tpu.sem_alloc : memref<!tpu.dma_semaphore, #tpu.memory_space<semaphore_mem>>
        tpu.enqueue_dma source(%arg20 : memref<1536xf32, #tpu.memory_space<vmem_shared>>) target(%arg14 : memref<1536xf32, #tpu.memory_space<vmem>>) target_semaphore(%run_scoped3A : memref<!tpu.dma_semaphore, #tpu.memory_space<semaphore_mem>>)
        tpu.wait_dma2 semaphore(%run_scoped3A : memref<!tpu.dma_semaphore, #tpu.memory_space<semaphore_mem>>) src(%arg20 : memref<1536xf32, #tpu.memory_space<vmem_shared>>) dst(%arg14 : memref<1536xf32, #tpu.memory_space<vmem>>)
        tpu.yield
      }) : () -> ()
      %barrier3A_76 = arith.constant 0 : index
      tpu.barrier barrier_id(%barrier3A_76)
      %mul3A_77 = arith.constant 16 : i32
      %mul3A_78 = vector.broadcast %mul3A_77 : i32 to vector<16xi32>
      %mul3A_79 = arith.muli %iota3A, %mul3A_78 : vector<16xi32>
      %add3A_80 = arith.constant 15 : i32
      %add3A_81 = vector.broadcast %add3A_80 : i32 to vector<16xi32>
      %add3A_82 = arith.addi %mul3A_79, %add3A_81 : vector<16xi32>
      %gather3A_83 = tpu.vector_load_idx %arg14[%add3A_82] : memref<1536xf32, #tpu.memory_space<vmem>>[vector<16xi32>], vector<16xf32>,
      %mul3A_84 = arith.constant 16 : i32
      %mul3A_85 = vector.broadcast %mul3A_84 : i32 to vector<16xi32>
      %mul3A_86 = arith.muli %iota3A, %mul3A_85 : vector<16xi32>
      %gather3A_87 = tpu.vector_load_idx %arg14[%mul3A_86] : memref<1536xf32, #tpu.memory_space<vmem>>[vector<16xi32>], vector<16xf32>,
      %add3A_88 = arith.constant 256 : i32
      %add3A_89 = vector.broadcast %add3A_88 : i32 to vector<16xi32>
      %add3A_90 = arith.addi %mul3A_86, %add3A_89 : vector<16xi32>
      %gather3A_91 = tpu.vector_load_idx %arg14[%add3A_90] : memref<1536xf32, #tpu.memory_space<vmem>>[vector<16xi32>], vector<16xf32>,
      %add3A_92 = arith.constant 512 : i32
      %add3A_93 = vector.broadcast %add3A_92 : i32 to vector<16xi32>
      %add3A_94 = arith.addi %mul3A_86, %add3A_93 : vector<16xi32>
      %gather3A_95 = tpu.vector_load_idx %arg14[%add3A_94] : memref<1536xf32, #tpu.memory_space<vmem>>[vector<16xi32>], vector<16xf32>,
      %add3A_96 = arith.constant 768 : i32
      %add3A_97 = vector.broadcast %add3A_96 : i32 to vector<16xi32>
      %add3A_98 = arith.addi %mul3A_86, %add3A_97 : vector<16xi32>
      %gather3A_99 = tpu.vector_load_idx %arg14[%add3A_98] : memref<1536xf32, #tpu.memory_space<vmem>>[vector<16xi32>], vector<16xf32>,
      %add3A_100 = arith.constant 1024 : i32
      %add3A_101 = vector.broadcast %add3A_100 : i32 to vector<16xi32>
      %add3A_102 = arith.addi %mul3A_86, %add3A_101 : vector<16xi32>
      %gather3A_103 = tpu.vector_load_idx %arg14[%add3A_102] : memref<1536xf32, #tpu.memory_space<vmem>>[vector<16xi32>], vector<16xf32>,
      %add3A_104 = arith.constant 1280 : i32
      %add3A_105 = vector.broadcast %add3A_104 : i32 to vector<16xi32>
      %add3A_106 = arith.addi %mul3A_86, %add3A_105 : vector<16xi32>
      %gather3A_107 = tpu.vector_load_idx %arg14[%add3A_106] : memref<1536xf32, #tpu.memory_space<vmem>>[vector<16xi32>], vector<16xf32>,
      %reduce_max3A = arith.constant true
      %reduce_max3A_108 = vector.broadcast %reduce_max3A : i1 to vector<16xi1>
      %reduce_max3A_109 = tpu.scan <max>, %gather3A_87 masked %reduce_max3A_108 : vector<16xf32>, vector<16xi1> -> vector<16xf32>
      %reduce_max3A_110 = vector.extract %reduce_max3A_109[15] : f32 from vector<16xf32>
      %gt3A = arith.constant -1.000000e+30 : f32
      %gt3A_111 = arith.cmpf ogt, %reduce_max3A_110, %gt3A : f32
      %lt3A = arith.constant 100 : i32
      %lt3A_112 = arith.cmpi slt, %while3A_16, %lt3A : i32
      %and3A = arith.andi %gt3A_111, %lt3A_112 : i1
      %while3A_113 = arith.constant 0 : i32
      %while3A_114:11 = scf.while (%while3A_128 = %gather3A_87, %while3A_129 = %gather3A_91, %while3A_130 = %gather3A_95, %while3A_131 = %gather3A_99, %while3A_132 = %gather3A_103, %while3A_133 = %gather3A_107, %while3A_134 = %broadcast_in_dim3A_5, %while3A_135 = %while3A_113, %while3A_136 = %while3A_16, %while3A_137 = %reduce_max3A_110, %while3A_138 = %and3A) : (vector<16xf32>, vector<16xf32>, vector<16xf32>, vector<16xf32>, vector<16xf32>, vector<16xf32>, vector<16xf32>, i32, i32, f32, i1) -> (vector<16xf32>, vector<16xf32>, vector<16xf32>, vector<16xf32>, vector<16xf32>, vector<16xf32>, vector<16xf32>, i32, i32, f32, i1) {
        scf.condition(%while3A_138) %while3A_128, %while3A_129, %while3A_130, %while3A_131, %while3A_132, %while3A_133, %while3A_134, %while3A_135, %while3A_136, %while3A_137, %while3A_138 : vector<16xf32>, vector<16xf32>, vector<16xf32>, vector<16xf32>, vector<16xf32>, vector<16xf32>, vector<16xf32>, i32, i32, f32, i1
      } do {
      ^bb0(%while3A_128: vector<16xf32>, %while3A_129: vector<16xf32>, %while3A_130: vector<16xf32>, %while3A_131: vector<16xf32>, %while3A_132: vector<16xf32>, %while3A_133: vector<16xf32>, %while3A_134: vector<16xf32>, %while3A_135: i32, %while3A_136: i32, %while3A_137: f32, %while3A_138: i1):
        %eq3A_139 = vector.broadcast %while3A_137 : f32 to vector<16xf32>
        %eq3A_140 = arith.cmpf oeq, %while3A_128, %eq3A_139 : vector<16xf32>
        %select_n3A_141 = arith.select %eq3A_140, %while3A_129, %broadcast_in_dim3A_7 : vector<16xi1>, vector<16xf32>
        %reduce_min3A = arith.constant true
        %reduce_min3A_142 = vector.broadcast %reduce_min3A : i1 to vector<16xi1>
        %reduce_min3A_143 = tpu.scan <min>, %select_n3A_141 masked %reduce_min3A_142 : vector<16xf32>, vector<16xi1> -> vector<16xf32>
        %reduce_min3A_144 = vector.extract %reduce_min3A_143[15] : f32 from vector<16xf32>
        %convert_element_type3A_145 = arith.fptosi %reduce_min3A_144 : f32 to i32
        %shift_right_logical3A = arith.constant 4 : i32
        %shift_right_logical3A_146 = arith.shrui %convert_element_type3A_145, %shift_right_logical3A : i32
        %and3A_147 = arith.constant 15 : i32
        %and3A_148 = arith.andi %shift_right_logical3A_146, %and3A_147 : i32
        %mul3A_149 = arith.constant 16 : i32
        %mul3A_150 = arith.muli %and3A_148, %mul3A_149 : i32
        %and3A_151 = arith.constant 15 : i32
        %and3A_152 = arith.andi %convert_element_type3A_145, %and3A_151 : i32
        %add3A_153 = arith.addi %mul3A_150, %and3A_152 : i32
        %add3A_154 = vector.broadcast %add3A_153 : i32 to vector<16xi32>
        %add3A_155 = arith.addi %broadcast_in_dim3A_3, %add3A_154 : vector<16xi32>
        %add3A_156 = arith.constant 512 : i32
        %add3A_157 = vector.broadcast %add3A_156 : i32 to vector<16xi32>
        %add3A_158 = arith.addi %add3A_155, %add3A_157 : vector<16xi32>
        %gather3A_159 = tpu.vector_load_idx %arg14[%add3A_158] : memref<1536xf32, #tpu.memory_space<vmem>>[vector<16xi32>], vector<16xf32>,
        %add3A_160 = arith.constant 768 : i32
        %add3A_161 = vector.broadcast %add3A_160 : i32 to vector<16xi32>
        %add3A_162 = arith.addi %add3A_155, %add3A_161 : vector<16xi32>
        %gather3A_163 = tpu.vector_load_idx %arg14[%add3A_162] : memref<1536xf32, #tpu.memory_space<vmem>>[vector<16xi32>], vector<16xf32>,
        %add3A_164 = arith.constant 1024 : i32
        %add3A_165 = vector.broadcast %add3A_164 : i32 to vector<16xi32>
        %add3A_166 = arith.addi %add3A_155, %add3A_165 : vector<16xi32>
        %gather3A_167 = tpu.vector_load_idx %arg14[%add3A_166] : memref<1536xf32, #tpu.memory_space<vmem>>[vector<16xi32>], vector<16xf32>,
        %add3A_168 = arith.constant 1280 : i32
        %add3A_169 = vector.broadcast %add3A_168 : i32 to vector<16xi32>
        %add3A_170 = arith.addi %add3A_155, %add3A_169 : vector<16xi32>
        %gather3A_171 = tpu.vector_load_idx %arg14[%add3A_170] : memref<1536xf32, #tpu.memory_space<vmem>>[vector<16xi32>], vector<16xf32>,
        %add3A_172 = vector.broadcast %while3A_135 : i32 to vector<16xi32>
        %add3A_173 = arith.addi %broadcast_in_dim3A_3, %add3A_172 : vector<16xi32>
        tpu.vector_store_idx %arg15[%add3A_173], %gather3A_159 : memref<128xf32, #tpu.memory_space<vmem>>[vector<16xi32>], vector<16xf32>,
        tpu.vector_store_idx %arg16[%add3A_173], %gather3A_163 : memref<128xf32, #tpu.memory_space<vmem>>[vector<16xi32>], vector<16xf32>,
        tpu.vector_store_idx %arg17[%add3A_173], %gather3A_167 : memref<128xf32, #tpu.memory_space<vmem>>[vector<16xi32>], vector<16xf32>,
        tpu.vector_store_idx %arg18[%add3A_173], %gather3A_171 : memref<128xf32, #tpu.memory_space<vmem>>[vector<16xi32>], vector<16xf32>,
        %eq3A_174 = arith.constant 0 : i32
        %eq3A_175 = arith.cmpi eq, %arg1, %eq3A_174 : i32
        %convert_element_type3A_176 = arith.extui %eq3A_175 : i1 to i32
        %cond3A_177 = arith.constant 0 : i32
        %cond3A_178 = arith.cmpi ne, %convert_element_type3A_176, %cond3A_177 : i32
        scf.if %cond3A_178 {
          %eq3A_371 = arith.constant 0 : i32
          %eq3A_372 = vector.broadcast %eq3A_371 : i32 to vector<16xi32>
          %eq3A_373 = arith.cmpi eq, %iota3A, %eq3A_372 : vector<16xi32>
          %jit3A_374 = arith.constant 0.000000e+00 : f32
          %broadcast_in_dim3A_375 = vector.broadcast %jit3A_374 : f32 to vector<16xf32>
          %select_n3A_376 = arith.select %eq3A_373, %gather3A_159, %broadcast_in_dim3A_375 : vector<16xi1>, vector<16xf32>
          %eq3A_377 = arith.constant 1 : i32
          %eq3A_378 = vector.broadcast %eq3A_377 : i32 to vector<16xi32>
          %eq3A_379 = arith.cmpi eq, %iota3A, %eq3A_378 : vector<16xi32>
          %jit3A_380 = arith.constant 0.000000e+00 : f32
          %broadcast_in_dim3A_381 = vector.broadcast %jit3A_380 : f32 to vector<16xf32>
          %select_n3A_382 = arith.select %eq3A_379, %gather3A_163, %broadcast_in_dim3A_381 : vector<16xi1>, vector<16xf32>
          %add3A_383 = arith.addf %select_n3A_376, %select_n3A_382 : vector<16xf32>
          %eq3A_384 = arith.constant 2 : i32
          %eq3A_385 = vector.broadcast %eq3A_384 : i32 to vector<16xi32>
          %eq3A_386 = arith.cmpi eq, %iota3A, %eq3A_385 : vector<16xi32>
          %jit3A_387 = arith.constant 0.000000e+00 : f32
          %broadcast_in_dim3A_388 = vector.broadcast %jit3A_387 : f32 to vector<16xf32>
          %select_n3A_389 = arith.select %eq3A_386, %gather3A_167, %broadcast_in_dim3A_388 : vector<16xi1>, vector<16xf32>
          %add3A_390 = arith.addf %add3A_383, %select_n3A_389 : vector<16xf32>
          %eq3A_391 = arith.constant 3 : i32
          %eq3A_392 = vector.broadcast %eq3A_391 : i32 to vector<16xi32>
          %eq3A_393 = arith.cmpi eq, %iota3A, %eq3A_392 : vector<16xi32>
          %jit3A_394 = arith.constant 0.000000e+00 : f32
          %broadcast_in_dim3A_395 = vector.broadcast %jit3A_394 : f32 to vector<16xf32>
          %select_n3A_396 = arith.select %eq3A_393, %gather3A_171, %broadcast_in_dim3A_395 : vector<16xi1>, vector<16xf32>
          %add3A_397 = arith.addf %add3A_390, %select_n3A_396 : vector<16xf32>
          %eq3A_398 = arith.constant 4 : i32
          %eq3A_399 = vector.broadcast %eq3A_398 : i32 to vector<16xi32>
          %eq3A_400 = arith.cmpi eq, %iota3A, %eq3A_399 : vector<16xi32>
          %jit3A_401 = arith.constant 0.000000e+00 : f32
          %broadcast_in_dim3A_402 = vector.broadcast %while3A_137 : f32 to vector<16xf32>
          %broadcast_in_dim3A_403 = vector.broadcast %jit3A_401 : f32 to vector<16xf32>
          %select_n3A_404 = arith.select %eq3A_400, %broadcast_in_dim3A_402, %broadcast_in_dim3A_403 : vector<16xi1>, vector<16xf32>
          %add3A_405 = arith.addf %add3A_397, %select_n3A_404 : vector<16xf32>
          %mul3A_406 = arith.constant 16 : i32
          %mul3A_407 = arith.muli %while3A_136, %mul3A_406 : i32
          %swap3A_408 = arith.index_cast %mul3A_407 : i32 to index
          %swap3A_409 = tpu.vector_load %arg19[%swap3A_408] {strides = array<i32>} : memref<1600xf32, #tpu.memory_space<vmem>>, vector<16xf32>,
          tpu.vector_store %arg19[%swap3A_408], %add3A_405 {strides = array<i32>} : memref<1600xf32, #tpu.memory_space<vmem>>, vector<16xf32>,
        } else {
        }
        %sub3A = arith.subf %gather3A_167, %gather3A_159 : vector<16xf32>
        %sub3A_179 = arith.subf %gather3A_171, %gather3A_163 : vector<16xf32>
        %mul3A_180 = arith.mulf %sub3A, %sub3A_179 : vector<16xf32>
        %max3A_181 = arith.maximumf %gather3A_159, %while3A_130 : vector<16xf32>
        %max3A_182 = arith.maximumf %gather3A_163, %while3A_131 : vector<16xf32>
        %min3A_183 = arith.minimumf %gather3A_167, %while3A_132 : vector<16xf32>
        %min3A_184 = arith.minimumf %gather3A_171, %while3A_133 : vector<16xf32>
        %sub3A_185 = arith.subf %min3A_183, %max3A_181 : vector<16xf32>
        %max3A_186 = arith.constant 0.000000e+00 : f32
        %max3A_187 = vector.broadcast %max3A_186 : f32 to vector<16xf32>
        %max3A_188 = arith.maximumf %sub3A_185, %max3A_187 : vector<16xf32>
        %sub3A_189 = arith.subf %min3A_184, %max3A_182 : vector<16xf32>
        %max3A_190 = arith.constant 0.000000e+00 : f32
        %max3A_191 = vector.broadcast %max3A_190 : f32 to vector<16xf32>
        %max3A_192 = arith.maximumf %sub3A_189, %max3A_191 : vector<16xf32>
        %mul3A_193 = arith.mulf %max3A_188, %max3A_192 : vector<16xf32>
        %sub3A_194 = arith.subf %while3A_132, %while3A_130 : vector<16xf32>
        %sub3A_195 = arith.subf %while3A_133, %while3A_131 : vector<16xf32>
        %mul3A_196 = arith.mulf %sub3A_194, %sub3A_195 : vector<16xf32>
        %add3A_197 = arith.addf %mul3A_180, %mul3A_196 : vector<16xf32>
        %sub3A_198 = arith.subf %add3A_197, %mul3A_193 : vector<16xf32>
        %max3A_199 = arith.constant 9.99999971E-10 : f32
        %max3A_200 = vector.broadcast %max3A_199 : f32 to vector<16xf32>
        %max3A_201 = arith.maximumf %sub3A_198, %max3A_200 : vector<16xf32>
        %div3A = arith.divf %mul3A_193, %max3A_201 : vector<16xf32>
        %gt3A_202 = arith.constant 8.000000e-01 : f32
        %gt3A_203 = vector.broadcast %gt3A_202 : f32 to vector<16xf32>
        %gt3A_204 = arith.cmpf ogt, %div3A, %gt3A_203 : vector<16xf32>
        %gt3A_205 = arith.constant -1.000000e+30 : f32
        %gt3A_206 = vector.broadcast %gt3A_205 : f32 to vector<16xf32>
        %gt3A_207 = arith.cmpf ogt, %while3A_128, %gt3A_206 : vector<16xf32>
        %and3A_208 = arith.andi %gt3A_204, %gt3A_207 : vector<16xi1>
        %ne3A = vector.broadcast %and3A_148 : i32 to vector<16xi32>
        %ne3A_209 = arith.cmpi ne, %iota3A, %ne3A : vector<16xi32>
        %and3A_210 = arith.andi %and3A_208, %ne3A_209 : vector<16xi1>
        %jit3A_211 = arith.constant 1.000000e+00 : f32
        %jit3A_212 = arith.constant 0.000000e+00 : f32
        %broadcast_in_dim3A_213 = vector.broadcast %jit3A_211 : f32 to vector<16xf32>
        %broadcast_in_dim3A_214 = vector.broadcast %jit3A_212 : f32 to vector<16xf32>
        %select_n3A_215 = arith.select %and3A_210, %broadcast_in_dim3A_213, %broadcast_in_dim3A_214 : vector<16xi1>, vector<16xf32>
        %reduce_max3A_216 = arith.constant true
        %reduce_max3A_217 = vector.broadcast %reduce_max3A_216 : i1 to vector<16xi1>
        %reduce_max3A_218 = tpu.scan <max>, %select_n3A_215 masked %reduce_max3A_217 : vector<16xf32>, vector<16xi1> -> vector<16xf32>
        %reduce_max3A_219 = vector.extract %reduce_max3A_218[15] : f32 from vector<16xf32>
        %add3A_220 = arith.constant 1 : i32
        %add3A_221 = arith.addi %add3A_153, %add3A_220 : i32
        %and3A_222 = arith.constant 15 : i32
        %and3A_223 = arith.andi %add3A_221, %and3A_222 : i32
        %eq3A_224 = arith.constant 0 : i32
        %eq3A_225 = arith.cmpi eq, %and3A_223, %eq3A_224 : i32
        %select_n3A_226 = arith.select %eq3A_225, %add3A_153, %add3A_221 : i32
        %add3A_227 = vector.broadcast %select_n3A_226 : i32 to vector<16xi32>
        %add3A_228 = arith.addi %broadcast_in_dim3A_3, %add3A_227 : vector<16xi32>
        %gather3A_229 = tpu.vector_load_idx %arg14[%add3A_228] : memref<1536xf32, #tpu.memory_space<vmem>>[vector<16xi32>], vector<16xf32>,
        %jit3A_230 = arith.constant -1.000000e+30 : f32
        %broadcast_in_dim3A_231 = vector.broadcast %jit3A_230 : f32 to vector<16xf32>
        %select_n3A_232 = arith.select %eq3A_225, %broadcast_in_dim3A_231, %gather3A_229 : vector<16xf32>
        %add3A_233 = arith.constant 256 : i32
        %add3A_234 = vector.broadcast %add3A_233 : i32 to vector<16xi32>
        %add3A_235 = arith.addi %add3A_228, %add3A_234 : vector<16xi32>
        %gather3A_236 = tpu.vector_load_idx %arg14[%add3A_235] : memref<1536xf32, #tpu.memory_space<vmem>>[vector<16xi32>], vector<16xf32>,
        %add3A_237 = arith.constant 512 : i32
        %add3A_238 = vector.broadcast %add3A_237 : i32 to vector<16xi32>
        %add3A_239 = arith.addi %add3A_228, %add3A_238 : vector<16xi32>
        %gather3A_240 = tpu.vector_load_idx %arg14[%add3A_239] : memref<1536xf32, #tpu.memory_space<vmem>>[vector<16xi32>], vector<16xf32>,
        %add3A_241 = arith.constant 768 : i32
        %add3A_242 = vector.broadcast %add3A_241 : i32 to vector<16xi32>
        %add3A_243 = arith.addi %add3A_228, %add3A_242 : vector<16xi32>
        %gather3A_244 = tpu.vector_load_idx %arg14[%add3A_243] : memref<1536xf32, #tpu.memory_space<vmem>>[vector<16xi32>], vector<16xf32>,
        %add3A_245 = arith.constant 1024 : i32
        %add3A_246 = vector.broadcast %add3A_245 : i32 to vector<16xi32>
        %add3A_247 = arith.addi %add3A_228, %add3A_246 : vector<16xi32>
        %gather3A_248 = tpu.vector_load_idx %arg14[%add3A_247] : memref<1536xf32, #tpu.memory_space<vmem>>[vector<16xi32>], vector<16xf32>,
        %add3A_249 = arith.constant 1280 : i32
        %add3A_250 = vector.broadcast %add3A_249 : i32 to vector<16xi32>
        %add3A_251 = arith.addi %add3A_228, %add3A_250 : vector<16xi32>
        %gather3A_252 = tpu.vector_load_idx %arg14[%add3A_251] : memref<1536xf32, #tpu.memory_space<vmem>>[vector<16xi32>], vector<16xf32>,
        %sub3A_253 = arith.subf %gather3A_248, %gather3A_240 : vector<16xf32>
        %sub3A_254 = arith.subf %gather3A_252, %gather3A_244 : vector<16xf32>
        %mul3A_255 = arith.mulf %sub3A_253, %sub3A_254 : vector<16xf32>
        %max3A_256 = arith.maximumf %gather3A_240, %gather3A_159 : vector<16xf32>
        %max3A_257 = arith.maximumf %gather3A_244, %gather3A_163 : vector<16xf32>
        %min3A_258 = arith.minimumf %gather3A_248, %gather3A_167 : vector<16xf32>
        %min3A_259 = arith.minimumf %gather3A_252, %gather3A_171 : vector<16xf32>
        %sub3A_260 = arith.subf %min3A_258, %max3A_256 : vector<16xf32>
        %max3A_261 = arith.constant 0.000000e+00 : f32
        %max3A_262 = vector.broadcast %max3A_261 : f32 to vector<16xf32>
        %max3A_263 = arith.maximumf %sub3A_260, %max3A_262 : vector<16xf32>
        %sub3A_264 = arith.subf %min3A_259, %max3A_257 : vector<16xf32>
        %max3A_265 = arith.constant 0.000000e+00 : f32
        %max3A_266 = vector.broadcast %max3A_265 : f32 to vector<16xf32>
        %max3A_267 = arith.maximumf %sub3A_264, %max3A_266 : vector<16xf32>
        %mul3A_268 = arith.mulf %max3A_263, %max3A_267 : vector<16xf32>
        %sub3A_269 = arith.subf %gather3A_167, %gather3A_159 : vector<16xf32>
        %sub3A_270 = arith.subf %gather3A_171, %gather3A_163 : vector<16xf32>
        %mul3A_271 = arith.mulf %sub3A_269, %sub3A_270 : vector<16xf32>
        %add3A_272 = arith.addf %mul3A_255, %mul3A_271 : vector<16xf32>
        %sub3A_273 = arith.subf %add3A_272, %mul3A_268 : vector<16xf32>
        %max3A_274 = arith.constant 9.99999971E-10 : f32
        %max3A_275 = vector.broadcast %max3A_274 : f32 to vector<16xf32>
        %max3A_276 = arith.maximumf %sub3A_273, %max3A_275 : vector<16xf32>
        %div3A_277 = arith.divf %mul3A_268, %max3A_276 : vector<16xf32>
        %gt3A_278 = arith.constant 8.000000e-01 : f32
        %gt3A_279 = vector.broadcast %gt3A_278 : f32 to vector<16xf32>
        %gt3A_280 = arith.cmpf ogt, %div3A_277, %gt3A_279 : vector<16xf32>
        %jit3A_281 = arith.constant 1.000000e+00 : f32
        %jit3A_282 = arith.constant 0.000000e+00 : f32
        %broadcast_in_dim3A_283 = vector.broadcast %jit3A_281 : f32 to vector<16xf32>
        %broadcast_in_dim3A_284 = vector.broadcast %jit3A_282 : f32 to vector<16xf32>
        %select_n3A_285 = arith.select %gt3A_280, %broadcast_in_dim3A_283, %broadcast_in_dim3A_284 : vector<16xi1>, vector<16xf32>
        %add3A_286 = arith.constant 16 : i32
        %add3A_287 = arith.addi %while3A_135, %add3A_286 : i32
        %sub3A_288 = arith.constant 1 : i32
        %sub3A_289 = arith.subi %add3A_287, %sub3A_288 : i32
        %jit3A_290 = arith.constant 16 : i32
        %div3A_291 = arith.divsi %sub3A_289, %jit3A_290 : i32
        %sign3A = arith.constant 0 : i32
        %sign3A_292 = arith.cmpi sgt, %sub3A_289, %sign3A : i32
        %sign3A_293 = arith.extui %sign3A_292 : i1 to i32
        %sign3A_294 = arith.constant 0 : i32
        %sign3A_295 = arith.cmpi slt, %sub3A_289, %sign3A_294 : i32
        %sign3A_296 = arith.extui %sign3A_295 : i1 to i32
        %sign3A_297 = arith.subi %sign3A_293, %sign3A_296 : i32
        %sign3A_298 = arith.constant 0 : i32
        %sign3A_299 = arith.cmpi sgt, %jit3A_290, %sign3A_298 : i32
        %sign3A_300 = arith.extui %sign3A_299 : i1 to i32
        %sign3A_301 = arith.constant 0 : i32
        %sign3A_302 = arith.cmpi slt, %jit3A_290, %sign3A_301 : i32
        %sign3A_303 = arith.extui %sign3A_302 : i1 to i32
        %sign3A_304 = arith.subi %sign3A_300, %sign3A_303 : i32
        %ne3A_305 = arith.cmpi ne, %sign3A_297, %sign3A_304 : i32
        %rem3A = arith.remsi %sub3A_289, %jit3A_290 : i32
        %ne3A_306 = arith.constant 0 : i32
        %ne3A_307 = arith.cmpi ne, %rem3A, %ne3A_306 : i32
        %and3A_308 = arith.andi %ne3A_305, %ne3A_307 : i1
        %sub3A_309 = arith.constant 1 : i32
        %sub3A_310 = arith.subi %div3A_291, %sub3A_309 : i32
        %select_n3A_311 = arith.select %and3A_308, %sub3A_310, %div3A_291 : i32
        %while3A_312 = arith.constant 0 : i32
        %while3A_313 = arith.subi %select_n3A_311, %while3A_312 : i32
        %while3A_314 = arith.addi %while3A_312, %while3A_313 : i32
        %while3A_315 = arith.constant 1 : i32
        %while3A_316 = arith.divsi %while3A_313, %while3A_315 : i32
        %while3A_317 = arith.muli %while3A_316, %while3A_315 : i32
        %while3A_318 = arith.addi %while3A_312, %while3A_317 : i32
        %while3A_319 = arith.constant 1 : i32
        %while3A_320 = scf.for %while3A_371 = %while3A_312 to %while3A_318 step %while3A_319 iter_args(%while3A_372 = %select_n3A_285) -> (vector<16xf32>)  : i32 {
          %mul3A_373 = arith.constant 16 : i32
          %mul3A_374 = arith.muli %while3A_371, %mul3A_373 : i32
          %get3A = arith.index_cast %mul3A_374 : i32 to index
          %get3A_375 = tpu.vector_load %arg15[%get3A] {strides = array<i32>} : memref<128xf32, #tpu.memory_space<vmem>>, vector<16xf32>,
          %get3A_376 = arith.index_cast %mul3A_374 : i32 to index
          %get3A_377 = tpu.vector_load %arg16[%get3A_376] {strides = array<i32>} : memref<128xf32, #tpu.memory_space<vmem>>, vector<16xf32>,
          %get3A_378 = arith.index_cast %mul3A_374 : i32 to index
          %get3A_379 = tpu.vector_load %arg17[%get3A_378] {strides = array<i32>} : memref<128xf32, #tpu.memory_space<vmem>>, vector<16xf32>,
          %get3A_380 = arith.index_cast %mul3A_374 : i32 to index
          %get3A_381 = tpu.vector_load %arg18[%get3A_380] {strides = array<i32>} : memref<128xf32, #tpu.memory_space<vmem>>, vector<16xf32>,
          %max3A_382 = arith.maximumf %gather3A_240, %get3A_375 : vector<16xf32>
          %max3A_383 = arith.maximumf %gather3A_244, %get3A_377 : vector<16xf32>
          %min3A_384 = arith.minimumf %gather3A_248, %get3A_379 : vector<16xf32>
          %min3A_385 = arith.minimumf %gather3A_252, %get3A_381 : vector<16xf32>
          %sub3A_386 = arith.subf %min3A_384, %max3A_382 : vector<16xf32>
          %max3A_387 = arith.constant 0.000000e+00 : f32
          %max3A_388 = vector.broadcast %max3A_387 : f32 to vector<16xf32>
          %max3A_389 = arith.maximumf %sub3A_386, %max3A_388 : vector<16xf32>
          %sub3A_390 = arith.subf %min3A_385, %max3A_383 : vector<16xf32>
          %max3A_391 = arith.constant 0.000000e+00 : f32
          %max3A_392 = vector.broadcast %max3A_391 : f32 to vector<16xf32>
          %max3A_393 = arith.maximumf %sub3A_390, %max3A_392 : vector<16xf32>
          %mul3A_394 = arith.mulf %max3A_389, %max3A_393 : vector<16xf32>
          %sub3A_395 = arith.subf %get3A_379, %get3A_375 : vector<16xf32>
          %sub3A_396 = arith.subf %get3A_381, %get3A_377 : vector<16xf32>
          %mul3A_397 = arith.mulf %sub3A_395, %sub3A_396 : vector<16xf32>
          %add3A_398 = arith.addf %mul3A_255, %mul3A_397 : vector<16xf32>
          %sub3A_399 = arith.subf %add3A_398, %mul3A_394 : vector<16xf32>
          %max3A_400 = arith.constant 9.99999971E-10 : f32
          %max3A_401 = vector.broadcast %max3A_400 : f32 to vector<16xf32>
          %max3A_402 = arith.maximumf %sub3A_399, %max3A_401 : vector<16xf32>
          %div3A_403 = arith.divf %mul3A_394, %max3A_402 : vector<16xf32>
          %mul3A_404 = arith.constant 16 : i32
          %mul3A_405 = arith.muli %while3A_371, %mul3A_404 : i32
          %add3A_406 = vector.broadcast %mul3A_405 : i32 to vector<16xi32>
          %add3A_407 = arith.addi %add3A_406, %iota3A : vector<16xi32>
          %lt3A_408 = vector.broadcast %while3A_135 : i32 to vector<16xi32>
          %lt3A_409 = arith.cmpi slt, %add3A_407, %lt3A_408 : vector<16xi32>
          %gt3A_410 = arith.constant 8.000000e-01 : f32
          %gt3A_411 = vector.broadcast %gt3A_410 : f32 to vector<16xf32>
          %gt3A_412 = arith.cmpf ogt, %div3A_403, %gt3A_411 : vector<16xf32>
          %and3A_413 = arith.andi %lt3A_409, %gt3A_412 : vector<16xi1>
          %jit3A_414 = arith.constant 1.000000e+00 : f32
          %jit3A_415 = arith.constant 0.000000e+00 : f32
          %broadcast_in_dim3A_416 = vector.broadcast %jit3A_414 : f32 to vector<16xf32>
          %broadcast_in_dim3A_417 = vector.broadcast %jit3A_415 : f32 to vector<16xf32>
          %select_n3A_418 = arith.select %and3A_413, %broadcast_in_dim3A_416, %broadcast_in_dim3A_417 : vector<16xi1>, vector<16xf32>
          %max3A_419 = arith.maximumf %while3A_372, %select_n3A_418 : vector<16xf32>
          scf.yield %max3A_419 : vector<16xf32>
        }
        %while3A_321 = arith.constant 1 : i32
        %while3A_322 = scf.for %while3A_371 = %while3A_318 to %while3A_314 step %while3A_321 iter_args(%while3A_372 = %while3A_320) -> (vector<16xf32>)  : i32 {
          %mul3A_373 = arith.constant 16 : i32
          %mul3A_374 = arith.muli %while3A_371, %mul3A_373 : i32
          %get3A = arith.index_cast %mul3A_374 : i32 to index
          %get3A_375 = tpu.vector_load %arg15[%get3A] {strides = array<i32>} : memref<128xf32, #tpu.memory_space<vmem>>, vector<16xf32>,
          %get3A_376 = arith.index_cast %mul3A_374 : i32 to index
          %get3A_377 = tpu.vector_load %arg16[%get3A_376] {strides = array<i32>} : memref<128xf32, #tpu.memory_space<vmem>>, vector<16xf32>,
          %get3A_378 = arith.index_cast %mul3A_374 : i32 to index
          %get3A_379 = tpu.vector_load %arg17[%get3A_378] {strides = array<i32>} : memref<128xf32, #tpu.memory_space<vmem>>, vector<16xf32>,
          %get3A_380 = arith.index_cast %mul3A_374 : i32 to index
          %get3A_381 = tpu.vector_load %arg18[%get3A_380] {strides = array<i32>} : memref<128xf32, #tpu.memory_space<vmem>>, vector<16xf32>,
          %max3A_382 = arith.maximumf %gather3A_240, %get3A_375 : vector<16xf32>
          %max3A_383 = arith.maximumf %gather3A_244, %get3A_377 : vector<16xf32>
          %min3A_384 = arith.minimumf %gather3A_248, %get3A_379 : vector<16xf32>
          %min3A_385 = arith.minimumf %gather3A_252, %get3A_381 : vector<16xf32>
          %sub3A_386 = arith.subf %min3A_384, %max3A_382 : vector<16xf32>
          %max3A_387 = arith.constant 0.000000e+00 : f32
          %max3A_388 = vector.broadcast %max3A_387 : f32 to vector<16xf32>
          %max3A_389 = arith.maximumf %sub3A_386, %max3A_388 : vector<16xf32>
          %sub3A_390 = arith.subf %min3A_385, %max3A_383 : vector<16xf32>
          %max3A_391 = arith.constant 0.000000e+00 : f32
          %max3A_392 = vector.broadcast %max3A_391 : f32 to vector<16xf32>
          %max3A_393 = arith.maximumf %sub3A_390, %max3A_392 : vector<16xf32>
          %mul3A_394 = arith.mulf %max3A_389, %max3A_393 : vector<16xf32>
          %sub3A_395 = arith.subf %get3A_379, %get3A_375 : vector<16xf32>
          %sub3A_396 = arith.subf %get3A_381, %get3A_377 : vector<16xf32>
          %mul3A_397 = arith.mulf %sub3A_395, %sub3A_396 : vector<16xf32>
          %add3A_398 = arith.addf %mul3A_255, %mul3A_397 : vector<16xf32>
          %sub3A_399 = arith.subf %add3A_398, %mul3A_394 : vector<16xf32>
          %max3A_400 = arith.constant 9.99999971E-10 : f32
          %max3A_401 = vector.broadcast %max3A_400 : f32 to vector<16xf32>
          %max3A_402 = arith.maximumf %sub3A_399, %max3A_401 : vector<16xf32>
          %div3A_403 = arith.divf %mul3A_394, %max3A_402 : vector<16xf32>
          %mul3A_404 = arith.constant 16 : i32
          %mul3A_405 = arith.muli %while3A_371, %mul3A_404 : i32
          %add3A_406 = vector.broadcast %mul3A_405 : i32 to vector<16xi32>
          %add3A_407 = arith.addi %add3A_406, %iota3A : vector<16xi32>
          %lt3A_408 = vector.broadcast %while3A_135 : i32 to vector<16xi32>
          %lt3A_409 = arith.cmpi slt, %add3A_407, %lt3A_408 : vector<16xi32>
          %gt3A_410 = arith.constant 8.000000e-01 : f32
          %gt3A_411 = vector.broadcast %gt3A_410 : f32 to vector<16xf32>
          %gt3A_412 = arith.cmpf ogt, %div3A_403, %gt3A_411 : vector<16xf32>
          %and3A_413 = arith.andi %lt3A_409, %gt3A_412 : vector<16xi1>
          %jit3A_414 = arith.constant 1.000000e+00 : f32
          %jit3A_415 = arith.constant 0.000000e+00 : f32
          %broadcast_in_dim3A_416 = vector.broadcast %jit3A_414 : f32 to vector<16xf32>
          %broadcast_in_dim3A_417 = vector.broadcast %jit3A_415 : f32 to vector<16xf32>
          %select_n3A_418 = arith.select %and3A_413, %broadcast_in_dim3A_416, %broadcast_in_dim3A_417 : vector<16xi1>, vector<16xf32>
          %max3A_419 = arith.maximumf %while3A_372, %select_n3A_418 : vector<16xf32>
          scf.yield %max3A_419 : vector<16xf32>
        }
        %gt3A_323 = arith.constant -1.000000e+30 : f32
        %gt3A_324 = vector.broadcast %gt3A_323 : f32 to vector<16xf32>
        %gt3A_325 = arith.cmpf ogt, %select_n3A_232, %gt3A_324 : vector<16xf32>
        %jit3A_326 = arith.constant 0.000000e+00 : f32
        %broadcast_in_dim3A_327 = vector.broadcast %jit3A_326 : f32 to vector<16xf32>
        %select_n3A_328 = arith.select %gt3A_325, %while3A_322, %broadcast_in_dim3A_327 : vector<16xi1>, vector<16xf32>
        %reduce_max3A_329 = arith.constant true
        %reduce_max3A_330 = vector.broadcast %reduce_max3A_329 : i1 to vector<16xi1>
        %reduce_max3A_331 = tpu.scan <max>, %select_n3A_328 masked %reduce_max3A_330 : vector<16xf32>, vector<16xi1> -> vector<16xf32>
        %reduce_max3A_332 = vector.extract %reduce_max3A_331[15] : f32 from vector<16xf32>
        %gt3A_333 = arith.constant 5.000000e-01 : f32
        %gt3A_334 = arith.cmpf ogt, %reduce_max3A_332, %gt3A_333 : f32
        %eq3A_335 = vector.broadcast %and3A_148 : i32 to vector<16xi32>
        %eq3A_336 = arith.cmpi eq, %iota3A, %eq3A_335 : vector<16xi32>
        %select_n3A_337 = arith.select %eq3A_336, %select_n3A_232, %while3A_128 : vector<16xi1>, vector<16xf32>
        %select_n3A_338 = arith.select %eq3A_336, %gather3A_236, %while3A_129 : vector<16xi1>, vector<16xf32>
        %select_n3A_339 = arith.select %eq3A_336, %gather3A_240, %while3A_130 : vector<16xi1>, vector<16xf32>
        %select_n3A_340 = arith.select %eq3A_336, %gather3A_244, %while3A_131 : vector<16xi1>, vector<16xf32>
        %select_n3A_341 = arith.select %eq3A_336, %gather3A_248, %while3A_132 : vector<16xi1>, vector<16xf32>
        %select_n3A_342 = arith.select %eq3A_336, %gather3A_252, %while3A_133 : vector<16xi1>, vector<16xf32>
        %and3A_343 = vector.broadcast %eq3A_225 : i1 to vector<16xi1>
        %and3A_344 = arith.andi %eq3A_336, %and3A_343 : vector<16xi1>
        %select_n3A_345 = arith.select %and3A_344, %gather3A_83, %while3A_134 : vector<16xi1>, vector<16xf32>
        %add3A_346 = arith.constant 1 : i32
        %add3A_347 = arith.addi %while3A_135, %add3A_346 : i32
        %add3A_348 = arith.constant 1 : i32
        %add3A_349 = arith.addi %while3A_136, %add3A_348 : i32
        %reduce_max3A_350 = arith.constant true
        %reduce_max3A_351 = vector.broadcast %reduce_max3A_350 : i1 to vector<16xi1>
        %reduce_max3A_352 = tpu.scan <max>, %select_n3A_337 masked %reduce_max3A_351 : vector<16xf32>, vector<16xi1> -> vector<16xf32>
        %reduce_max3A_353 = vector.extract %reduce_max3A_352[15] : f32 from vector<16xf32>
        %reduce_max3A_354 = arith.constant true
        %reduce_max3A_355 = vector.broadcast %reduce_max3A_354 : i1 to vector<16xi1>
        %reduce_max3A_356 = tpu.scan <max>, %select_n3A_345 masked %reduce_max3A_355 : vector<16xf32>, vector<16xi1> -> vector<16xf32>
        %reduce_max3A_357 = vector.extract %reduce_max3A_356[15] : f32 from vector<16xf32>
        %gt3A_358 = arith.constant -1.000000e+30 : f32
        %gt3A_359 = arith.cmpf ogt, %reduce_max3A_353, %gt3A_358 : f32
        %gt3A_360 = arith.cmpf ogt, %reduce_max3A_353, %reduce_max3A_357 : f32
        %and3A_361 = arith.andi %gt3A_359, %gt3A_360 : i1
        %lt3A_362 = arith.constant 5.000000e-01 : f32
        %lt3A_363 = arith.cmpf olt, %reduce_max3A_219, %lt3A_362 : f32
        %and3A_364 = arith.andi %and3A_361, %lt3A_363 : i1
        %not3A_365 = arith.constant true
        %not3A_366 = arith.xori %gt3A_334, %not3A_365 : i1
        %and3A_367 = arith.andi %and3A_364, %not3A_366 : i1
        %lt3A_368 = arith.constant 100 : i32
        %lt3A_369 = arith.cmpi slt, %add3A_349, %lt3A_368 : i32
        %and3A_370 = arith.andi %and3A_367, %lt3A_369 : i1
        scf.yield %select_n3A_337, %select_n3A_338, %select_n3A_339, %select_n3A_340, %select_n3A_341, %select_n3A_342, %select_n3A_345, %add3A_347, %add3A_349, %reduce_max3A_353, %and3A_370 : vector<16xf32>, vector<16xf32>, vector<16xf32>, vector<16xf32>, vector<16xf32>, vector<16xf32>, vector<16xf32>, i32, i32, f32, i1
      }
      %not3A = arith.constant true
      %not3A_115 = arith.xori %gt3A_111, %not3A : i1
      %eq3A_116 = arith.constant 0 : i32
      %eq3A_117 = arith.cmpi eq, %arg1, %eq3A_116 : i32
      %and3A_118 = arith.andi %not3A_115, %eq3A_117 : i1
      %convert_element_type3A_119 = arith.extui %and3A_118 : i1 to i32
      %cond3A_120 = arith.constant 0 : i32
      %cond3A_121 = arith.cmpi ne, %convert_element_type3A_119, %cond3A_120 : i32
      scf.if %cond3A_121 {
        %while3A_128 = arith.constant 100 : i32
        %while3A_129 = arith.constant 0 : i32
        %while3A_130 = arith.subi %while3A_128, %while3A_16 : i32
        %while3A_131 = arith.addi %while3A_16, %while3A_130 : i32
        %while3A_132 = arith.constant 1 : i32
        %while3A_133 = arith.divsi %while3A_130, %while3A_132 : i32
        %while3A_134 = arith.muli %while3A_133, %while3A_132 : i32
        %while3A_135 = arith.addi %while3A_16, %while3A_134 : i32
        %while3A_136 = arith.constant 1 : i32
        %while3A_137 = scf.for %while3A_140 = %while3A_16 to %while3A_135 step %while3A_136 iter_args(%while3A_141 = %while3A_129) -> (i32)  : i32 {
          %mul3A_142 = arith.constant 16 : i32
          %mul3A_143 = arith.muli %while3A_140, %mul3A_142 : i32
          %swap3A_144 = arith.index_cast %mul3A_143 : i32 to index
          %swap3A_145 = tpu.vector_load %arg19[%swap3A_144] {strides = array<i32>} : memref<1600xf32, #tpu.memory_space<vmem>>, vector<16xf32>,
          tpu.vector_store %arg19[%swap3A_144], %broadcast_in_dim3A_9 {strides = array<i32>} : memref<1600xf32, #tpu.memory_space<vmem>>, vector<16xf32>,
          %while3A_146 = arith.constant 0 : i32
          scf.yield %while3A_146 : i32
        }
        %while3A_138 = arith.constant 1 : i32
        %while3A_139 = scf.for %while3A_140 = %while3A_135 to %while3A_131 step %while3A_138 iter_args(%while3A_141 = %while3A_137) -> (i32)  : i32 {
          %mul3A_142 = arith.constant 16 : i32
          %mul3A_143 = arith.muli %while3A_140, %mul3A_142 : i32
          %swap3A_144 = arith.index_cast %mul3A_143 : i32 to index
          %swap3A_145 = tpu.vector_load %arg19[%swap3A_144] {strides = array<i32>} : memref<1600xf32, #tpu.memory_space<vmem>>, vector<16xf32>,
          tpu.vector_store %arg19[%swap3A_144], %broadcast_in_dim3A_9 {strides = array<i32>} : memref<1600xf32, #tpu.memory_space<vmem>>, vector<16xf32>,
          %while3A_146 = arith.constant 0 : i32
          scf.yield %while3A_146 : i32
        }
      } else {
      }
      %jit3A_122 = arith.constant 100 : i32
      %select_n3A = arith.select %gt3A_111, %while3A_114#8, %jit3A_122 : i32
      %lt3A_123 = arith.constant 100 : i32
      %lt3A_124 = arith.cmpi slt, %select_n3A, %lt3A_123 : i32
      %convert_element_type3A_125 = arith.extui %lt3A_124 : i1 to i32
      %cond3A_126 = arith.constant 0 : i32
      %cond3A_127 = arith.cmpi ne, %convert_element_type3A_125, %cond3A_126 : i32
      scf.if %cond3A_127 {
        %delay3A = arith.constant 500 : i32
        tpu.delay %delay3A
        %while3A_128 = arith.constant 0 : i32
        %while3A_129 = arith.constant 0 : i32
        %while3A_130 = arith.subi %while3A_114#7, %while3A_128 : i32
        %while3A_131 = arith.addi %while3A_128, %while3A_130 : i32
        %while3A_132 = arith.constant 1 : i32
        %while3A_133 = arith.divsi %while3A_130, %while3A_132 : i32
        %while3A_134 = arith.muli %while3A_133, %while3A_132 : i32
        %while3A_135 = arith.addi %while3A_128, %while3A_134 : i32
        %while3A_136 = arith.constant 1 : i32
        %while3A_137 = scf.for %while3A_140 = %while3A_128 to %while3A_135 step %while3A_136 iter_args(%while3A_141 = %while3A_129) -> (i32)  : i32 {
          %add3A_142 = vector.broadcast %while3A_140 : i32 to vector<16xi32>
          %add3A_143 = arith.addi %broadcast_in_dim3A_3, %add3A_142 : vector<16xi32>
          %gather3A_144 = tpu.vector_load_idx %arg15[%add3A_143] : memref<128xf32, #tpu.memory_space<vmem>>[vector<16xi32>], vector<16xf32>,
          %gather3A_145 = tpu.vector_load_idx %arg16[%add3A_143] : memref<128xf32, #tpu.memory_space<vmem>>[vector<16xi32>], vector<16xf32>,
          %gather3A_146 = tpu.vector_load_idx %arg17[%add3A_143] : memref<128xf32, #tpu.memory_space<vmem>>[vector<16xi32>], vector<16xf32>,
          %gather3A_147 = tpu.vector_load_idx %arg18[%add3A_143] : memref<128xf32, #tpu.memory_space<vmem>>[vector<16xi32>], vector<16xf32>,
          %sub3A = arith.subf %gather3A_146, %gather3A_144 : vector<16xf32>
          %sub3A_148 = arith.subf %gather3A_147, %gather3A_145 : vector<16xf32>
          %mul3A_149 = arith.mulf %sub3A, %sub3A_148 : vector<16xf32>
          %parallel_loop3A_150 = arith.constant 0 : i32
          %parallel_loop3A_151 = arith.constant 80 : i32
          %parallel_loop3A_152 = arith.constant 1 : i32
          scf.for %parallel_loop3A_154 = %parallel_loop3A_150 to %parallel_loop3A_151 step %parallel_loop3A_152  : i32 {
            %parallel_loop3A_155 = arith.constant 16 : i32
            %parallel_loop3A_156 = arith.muli %parallel_loop3A_154, %parallel_loop3A_155 : i32
            %parallel_loop3A_157 = arith.index_cast %parallel_loop3A_156 : i32 to index
            %parallel_loop3A_158 = tpu.vector_load %arg12[%parallel_loop3A_157] {strides = array<i32>} : memref<1280xf32, #tpu.memory_space<vmem>>, vector<16xf32>,
            %parallel_loop3A_159 = arith.index_cast %parallel_loop3A_156 : i32 to index
            %parallel_loop3A_160 = tpu.vector_load %arg8[%parallel_loop3A_159] {strides = array<i32>} : memref<1280xf32, #tpu.memory_space<vmem>>, vector<16xf32>,
            %parallel_loop3A_161 = arith.index_cast %parallel_loop3A_156 : i32 to index
            %parallel_loop3A_162 = tpu.vector_load %arg9[%parallel_loop3A_161] {strides = array<i32>} : memref<1280xf32, #tpu.memory_space<vmem>>, vector<16xf32>,
            %parallel_loop3A_163 = arith.index_cast %parallel_loop3A_156 : i32 to index
            %parallel_loop3A_164 = tpu.vector_load %arg10[%parallel_loop3A_163] {strides = array<i32>} : memref<1280xf32, #tpu.memory_space<vmem>>, vector<16xf32>,
            %parallel_loop3A_165 = arith.index_cast %parallel_loop3A_156 : i32 to index
            %parallel_loop3A_166 = tpu.vector_load %arg11[%parallel_loop3A_165] {strides = array<i32>} : memref<1280xf32, #tpu.memory_space<vmem>>, vector<16xf32>,
            %parallel_loop3A_167 = arith.maximumf %gather3A_144, %parallel_loop3A_160 : vector<16xf32>
            %parallel_loop3A_168 = arith.maximumf %gather3A_145, %parallel_loop3A_162 : vector<16xf32>
            %parallel_loop3A_169 = arith.minimumf %gather3A_146, %parallel_loop3A_164 : vector<16xf32>
            %parallel_loop3A_170 = arith.minimumf %gather3A_147, %parallel_loop3A_166 : vector<16xf32>
            %parallel_loop3A_171 = arith.subf %parallel_loop3A_169, %parallel_loop3A_167 : vector<16xf32>
            %parallel_loop3A_172 = arith.constant 0.000000e+00 : f32
            %parallel_loop3A_173 = vector.broadcast %parallel_loop3A_172 : f32 to vector<16xf32>
            %parallel_loop3A_174 = arith.maximumf %parallel_loop3A_171, %parallel_loop3A_173 : vector<16xf32>
            %parallel_loop3A_175 = arith.subf %parallel_loop3A_170, %parallel_loop3A_168 : vector<16xf32>
            %parallel_loop3A_176 = arith.constant 0.000000e+00 : f32
            %parallel_loop3A_177 = vector.broadcast %parallel_loop3A_176 : f32 to vector<16xf32>
            %parallel_loop3A_178 = arith.maximumf %parallel_loop3A_175, %parallel_loop3A_177 : vector<16xf32>
            %parallel_loop3A_179 = arith.mulf %parallel_loop3A_174, %parallel_loop3A_178 : vector<16xf32>
            %parallel_loop3A_180 = arith.subf %parallel_loop3A_164, %parallel_loop3A_160 : vector<16xf32>
            %parallel_loop3A_181 = arith.subf %parallel_loop3A_166, %parallel_loop3A_162 : vector<16xf32>
            %parallel_loop3A_182 = arith.mulf %parallel_loop3A_180, %parallel_loop3A_181 : vector<16xf32>
            %parallel_loop3A_183 = arith.addf %mul3A_149, %parallel_loop3A_182 : vector<16xf32>
            %parallel_loop3A_184 = arith.subf %parallel_loop3A_183, %parallel_loop3A_179 : vector<16xf32>
            %parallel_loop3A_185 = arith.constant 9.99999971E-10 : f32
            %parallel_loop3A_186 = vector.broadcast %parallel_loop3A_185 : f32 to vector<16xf32>
            %parallel_loop3A_187 = arith.maximumf %parallel_loop3A_184, %parallel_loop3A_186 : vector<16xf32>
            %parallel_loop3A_188 = arith.divf %parallel_loop3A_179, %parallel_loop3A_187 : vector<16xf32>
            %parallel_loop3A_189 = arith.constant 8.000000e-01 : f32
            %parallel_loop3A_190 = vector.broadcast %parallel_loop3A_189 : f32 to vector<16xf32>
            %parallel_loop3A_191 = arith.cmpf ogt, %parallel_loop3A_188, %parallel_loop3A_190 : vector<16xf32>
            %parallel_loop3A_192 = arith.constant -1.000000e+30 : f32
            %parallel_loop3A_193 = vector.broadcast %parallel_loop3A_192 : f32 to vector<16xf32>
            %parallel_loop3A_194 = arith.select %parallel_loop3A_191, %parallel_loop3A_193, %parallel_loop3A_158 : vector<16xi1>, vector<16xf32>
            %parallel_loop3A_195 = arith.index_cast %parallel_loop3A_156 : i32 to index
            %parallel_loop3A_196 = tpu.vector_load %arg12[%parallel_loop3A_195] {strides = array<i32>} : memref<1280xf32, #tpu.memory_space<vmem>>, vector<16xf32>,
            tpu.vector_store %arg12[%parallel_loop3A_195], %parallel_loop3A_194 {strides = array<i32>} : memref<1280xf32, #tpu.memory_space<vmem>>, vector<16xf32>,
          } {sc.loop_unroll_factor = 8 : i64, sc.parallel_access}
          %while3A_153 = arith.constant 0 : i32
          scf.yield %while3A_153 : i32
        }
        %while3A_138 = arith.constant 1 : i32
        %while3A_139 = scf.for %while3A_140 = %while3A_135 to %while3A_131 step %while3A_138 iter_args(%while3A_141 = %while3A_137) -> (i32)  : i32 {
          %add3A_142 = vector.broadcast %while3A_140 : i32 to vector<16xi32>
          %add3A_143 = arith.addi %broadcast_in_dim3A_3, %add3A_142 : vector<16xi32>
          %gather3A_144 = tpu.vector_load_idx %arg15[%add3A_143] : memref<128xf32, #tpu.memory_space<vmem>>[vector<16xi32>], vector<16xf32>,
          %gather3A_145 = tpu.vector_load_idx %arg16[%add3A_143] : memref<128xf32, #tpu.memory_space<vmem>>[vector<16xi32>], vector<16xf32>,
          %gather3A_146 = tpu.vector_load_idx %arg17[%add3A_143] : memref<128xf32, #tpu.memory_space<vmem>>[vector<16xi32>], vector<16xf32>,
          %gather3A_147 = tpu.vector_load_idx %arg18[%add3A_143] : memref<128xf32, #tpu.memory_space<vmem>>[vector<16xi32>], vector<16xf32>,
          %sub3A = arith.subf %gather3A_146, %gather3A_144 : vector<16xf32>
          %sub3A_148 = arith.subf %gather3A_147, %gather3A_145 : vector<16xf32>
          %mul3A_149 = arith.mulf %sub3A, %sub3A_148 : vector<16xf32>
          %parallel_loop3A_150 = arith.constant 0 : i32
          %parallel_loop3A_151 = arith.constant 80 : i32
          %parallel_loop3A_152 = arith.constant 1 : i32
          scf.for %parallel_loop3A_154 = %parallel_loop3A_150 to %parallel_loop3A_151 step %parallel_loop3A_152  : i32 {
            %parallel_loop3A_155 = arith.constant 16 : i32
            %parallel_loop3A_156 = arith.muli %parallel_loop3A_154, %parallel_loop3A_155 : i32
            %parallel_loop3A_157 = arith.index_cast %parallel_loop3A_156 : i32 to index
            %parallel_loop3A_158 = tpu.vector_load %arg12[%parallel_loop3A_157] {strides = array<i32>} : memref<1280xf32, #tpu.memory_space<vmem>>, vector<16xf32>,
            %parallel_loop3A_159 = arith.index_cast %parallel_loop3A_156 : i32 to index
            %parallel_loop3A_160 = tpu.vector_load %arg8[%parallel_loop3A_159] {strides = array<i32>} : memref<1280xf32, #tpu.memory_space<vmem>>, vector<16xf32>,
            %parallel_loop3A_161 = arith.index_cast %parallel_loop3A_156 : i32 to index
            %parallel_loop3A_162 = tpu.vector_load %arg9[%parallel_loop3A_161] {strides = array<i32>} : memref<1280xf32, #tpu.memory_space<vmem>>, vector<16xf32>,
            %parallel_loop3A_163 = arith.index_cast %parallel_loop3A_156 : i32 to index
            %parallel_loop3A_164 = tpu.vector_load %arg10[%parallel_loop3A_163] {strides = array<i32>} : memref<1280xf32, #tpu.memory_space<vmem>>, vector<16xf32>,
            %parallel_loop3A_165 = arith.index_cast %parallel_loop3A_156 : i32 to index
            %parallel_loop3A_166 = tpu.vector_load %arg11[%parallel_loop3A_165] {strides = array<i32>} : memref<1280xf32, #tpu.memory_space<vmem>>, vector<16xf32>,
            %parallel_loop3A_167 = arith.maximumf %gather3A_144, %parallel_loop3A_160 : vector<16xf32>
            %parallel_loop3A_168 = arith.maximumf %gather3A_145, %parallel_loop3A_162 : vector<16xf32>
            %parallel_loop3A_169 = arith.minimumf %gather3A_146, %parallel_loop3A_164 : vector<16xf32>
            %parallel_loop3A_170 = arith.minimumf %gather3A_147, %parallel_loop3A_166 : vector<16xf32>
            %parallel_loop3A_171 = arith.subf %parallel_loop3A_169, %parallel_loop3A_167 : vector<16xf32>
            %parallel_loop3A_172 = arith.constant 0.000000e+00 : f32
            %parallel_loop3A_173 = vector.broadcast %parallel_loop3A_172 : f32 to vector<16xf32>
            %parallel_loop3A_174 = arith.maximumf %parallel_loop3A_171, %parallel_loop3A_173 : vector<16xf32>
            %parallel_loop3A_175 = arith.subf %parallel_loop3A_170, %parallel_loop3A_168 : vector<16xf32>
            %parallel_loop3A_176 = arith.constant 0.000000e+00 : f32
            %parallel_loop3A_177 = vector.broadcast %parallel_loop3A_176 : f32 to vector<16xf32>
            %parallel_loop3A_178 = arith.maximumf %parallel_loop3A_175, %parallel_loop3A_177 : vector<16xf32>
            %parallel_loop3A_179 = arith.mulf %parallel_loop3A_174, %parallel_loop3A_178 : vector<16xf32>
            %parallel_loop3A_180 = arith.subf %parallel_loop3A_164, %parallel_loop3A_160 : vector<16xf32>
            %parallel_loop3A_181 = arith.subf %parallel_loop3A_166, %parallel_loop3A_162 : vector<16xf32>
            %parallel_loop3A_182 = arith.mulf %parallel_loop3A_180, %parallel_loop3A_181 : vector<16xf32>
            %parallel_loop3A_183 = arith.addf %mul3A_149, %parallel_loop3A_182 : vector<16xf32>
            %parallel_loop3A_184 = arith.subf %parallel_loop3A_183, %parallel_loop3A_179 : vector<16xf32>
            %parallel_loop3A_185 = arith.constant 9.99999971E-10 : f32
            %parallel_loop3A_186 = vector.broadcast %parallel_loop3A_185 : f32 to vector<16xf32>
            %parallel_loop3A_187 = arith.maximumf %parallel_loop3A_184, %parallel_loop3A_186 : vector<16xf32>
            %parallel_loop3A_188 = arith.divf %parallel_loop3A_179, %parallel_loop3A_187 : vector<16xf32>
            %parallel_loop3A_189 = arith.constant 8.000000e-01 : f32
            %parallel_loop3A_190 = vector.broadcast %parallel_loop3A_189 : f32 to vector<16xf32>
            %parallel_loop3A_191 = arith.cmpf ogt, %parallel_loop3A_188, %parallel_loop3A_190 : vector<16xf32>
            %parallel_loop3A_192 = arith.constant -1.000000e+30 : f32
            %parallel_loop3A_193 = vector.broadcast %parallel_loop3A_192 : f32 to vector<16xf32>
            %parallel_loop3A_194 = arith.select %parallel_loop3A_191, %parallel_loop3A_193, %parallel_loop3A_158 : vector<16xi1>, vector<16xf32>
            %parallel_loop3A_195 = arith.index_cast %parallel_loop3A_156 : i32 to index
            %parallel_loop3A_196 = tpu.vector_load %arg12[%parallel_loop3A_195] {strides = array<i32>} : memref<1280xf32, #tpu.memory_space<vmem>>, vector<16xf32>,
            tpu.vector_store %arg12[%parallel_loop3A_195], %parallel_loop3A_194 {strides = array<i32>} : memref<1280xf32, #tpu.memory_space<vmem>>, vector<16xf32>,
          } {sc.loop_unroll_factor = 8 : i64, sc.parallel_access}
          %while3A_153 = arith.constant 0 : i32
          scf.yield %while3A_153 : i32
        }
      } else {
      }
      scf.yield %select_n3A : i32
    }
    %eq3A = arith.constant 0 : i32
    %eq3A_13 = arith.cmpi eq, %arg1, %eq3A : i32
    %convert_element_type3A_14 = arith.extui %eq3A_13 : i1 to i32
    %cond3A = arith.constant 0 : i32
    %cond3A_15 = arith.cmpi ne, %convert_element_type3A_14, %cond3A : i32
    scf.if %cond3A_15 {
      "tpu.region"() ({
        %run_scoped3A = tpu.sem_alloc : memref<!tpu.dma_semaphore, #tpu.memory_space<semaphore_mem>>
        tpu.enqueue_dma source(%arg19 : memref<1600xf32, #tpu.memory_space<vmem>>) target(%arg7 : memref<1600xf32, #tpu.memory_space<hbm>>) target_semaphore(%run_scoped3A : memref<!tpu.dma_semaphore, #tpu.memory_space<semaphore_mem>>)
        tpu.wait_dma2 semaphore(%run_scoped3A : memref<!tpu.dma_semaphore, #tpu.memory_space<semaphore_mem>>) src(%arg19 : memref<1600xf32, #tpu.memory_space<vmem>>) dst(%arg7 : memref<1600xf32, #tpu.memory_space<hbm>>)
        tpu.yield
      }) : () -> ()
    } else {
    }
    return
  }
}

</mosaic_0001>

<sc_bundles>
// kernel: kernel.3.cloned.1.call-start
scs
__scs_entry_jumppad:
0x0: {  	(pc) =	sbr.rel $0x88, $3  }
0x1: {  	(tag) =	ssettag $0x0;
	lr =	simm.s32 $0x1  }
0x2: {  	[smem:$0x3F9F] =	sst lr;
	_ =	strace $0xD0000000  }
0x3: {  	_ = 	snop  }
0x4: {  	_ = 	snop  }
0x5: {  	_ = 	snop  }
0x6: {  	_ = 	snop  }
0x7: {  	_ = 	snop  }
__scs_overlays_trampoline_lowered:
0x8: {  	[smem:$0x3FAE] =	sst s0  }
0x9: {  	[smem:$0x3FAF] =	sst s1  }
0xa: {  	[smem:$0x3FB0] =	sst s2  }
0xb: {  	[smem:$0x3FB1] =	sst s3  }
0xc: {  	[smem:$0x3FB2] =	sst s4  }
0xd: {  	[smem:$0x3FB3] =	sst s5  }
0xe: {  	[smem:$0x3FB4] =	sst s6  }
0xf: {  	[smem:$0x3FB5] =	sst s7  }
0x10: {  	[smem:$0x3FB6] =	sst s8  }
0x11: {  	[smem:$0x3FB7] =	sst s9;
	s0 =	simm.s32 @!p0 $0x0  }
0x12: {  	s1 =	sld [smem:$0x3F9D];
	s0 =	simm.s32 @p0 $0x1  }
0x13: {  	[smem:$0x3FB8] =	sst s0;
	s0 =	simm.s32 @!p1 $0x0  }
0x14: {  	s2 =	sld [smem:$0x3F9C];
	s0 =	simm.s32 @p1 $0x1  }
0x15: {  	[smem:$0x3FB9] =	sst s0;
	s0 =	simm.s32 @!p2 $0x0  }
0x16: {  	s3 =	sld [smem:$0x3FDB];
	s0 =	simm.s32 @p2 $0x1  }
0x17: {  	s4 =	simm.s32 $0x1BF5;
	[smem:$0x3FBB] =	sst s0  }
0x18: {  	s0 =	sld [smem:$0x3F9E];
	_ =	swait.ge [sflag:s4], $0x0  }
0x19: {  	s7 =	sld [smem:$0x3F9F]  }
0x1a: {  	s8 =	sadd.s32 $0xFFFFE003, lr  }
0x1b: {  	s9 =	sadd.s32 $0xFFFFFEF7, lr;
	s5 =	simm.s32 $0xFFFFFFFF;
	p2 =	slt.u32 s8, $0xFFFFF086  }
0x1c: {  	p1 =	slt.u32 s9, $0xF7A;
	s5 =	simm.s32 @!p2 $0x0  }
0x1d: {  	s5 =	simm.s32 @p1 $0x1;
	p0 =	seq.s32 s7, s2  }
0x1e: {  	s7 =	smul.u32 @!p0 $0xF7A, s2;
	p2 =	seq.s32 @!p0 s5, $0x0  }
0x1f: {  	s9 =	smul.u32 $0xF7A, s1;
	s8 =	simm.s32 @!p0 $0x1BF5;
	p2 =	por !p2, p0  }
0x20: {  	[sflag:s8] =	ssyncset.s32 @!p0 $0xFFFFF086;
	s6 =	sadd.s32 @!p0 s3, s7;
	s7 =	simm.s32 @!p0 $0x108  }
0x21: {  	s3 =	sadd.s32 s3, s9;
	s6 =	sadd.s32 @!p0 $0x88, s6;
	s7 =	simm.s32 @p2 $0x1082  }
0x22: {  	[simem:s7], [sflag:s8] =	dma.local @!p0 [hbm:s6], $0xF7A  }
0x23: {  	s9 =	sor.u32 $0xD0000000, s2;
	s6 =	simm.s32 $0x108;
	_ =	swait.ge @!p0 [sflag:s8], $0x0  }
0x24: {  	s3 =	sadd.s32 $0x88, s3;
	s6 =	simm.s32 @!p1 $0x1082;
	[sflag:s4] =	ssyncset.s32 $0xFFFFF086  }
0x25: {  	[simem:s6], [sflag:s4] =	dma.local [hbm:s3], $0xF7A  }
0x26: {  	[smem:$0x3F9F] =	sst s1;
	(tag) =	ssettag s2;
	_ =	strace s9  }
0x27: {  	s1 =	sld [smem:$0x3FAF]  }
0x28: {  	s2 =	sld [smem:$0x3FB0]  }
0x29: {  	s4 =	sld [smem:$0x3FB2]  }
0x2a: {  	p0 =	seq.s32 s5, $0x0;
	s5 =	sld [smem:$0x3FB3]  }
0x2b: {  	s6 =	sld [smem:$0x3FB4]  }
0x2c: {  	s7 =	sld [smem:$0x3FB5]  }
0x2d: {  	s3 =	simm.s32 $0x108;
	s8 =	sld [smem:$0x3FB6]  }
0x2e: {  	s3 =	simm.s32 @!p0 $0x1082;
	s9 =	sld [smem:$0x3FB7]  }
0x2f: {  	lr =	sadd.s32 s0, s3;
	s0 =	sld [smem:$0x3FAE]  }
0x30: {  	s3 =	sld [smem:$0x3FB1]  }
0x31: {  	[smem:$0x3FBA] =	sst s10  }
0x32: {  	s10 =	sld [smem:$0x3FB8];
	_ =	sdelay $0x3  }
0x33: {  	p0 =	seq.s32 s10, $0x1;
	s10 =	sld [smem:$0x3FBA];
	_ =	sdelay $0x3  }
0x34: {  	[smem:$0x3FBA] =	sst s10  }
0x35: {  	s10 =	sld [smem:$0x3FB9];
	_ =	sdelay $0x3  }
0x36: {  	p1 =	seq.s32 s10, $0x1;
	s10 =	sld [smem:$0x3FBA];
	_ =	sdelay $0x3  }
0x37: {  	[smem:$0x3FBA] =	sst s10  }
0x38: {  	s10 =	sld [smem:$0x3FBB]  }
0x39: {  	_ = 	snop;
	(pc) =	sbr.ind lr, $3  }
0x3a: {  	_ = 	snop  }
0x3b: {  	_ = 	snop  }
0x3c: {  	p2 =	seq.s32 s10, $0x1;
	s10 =	sld [smem:$0x3FBA]  }
0x3d: {  	_ =	shalt  }
0x3e: {  	_ =	shalt  }
0x3f: {  	_ =	shalt  }
0x40: {  	_ =	shalt  }
0x41: {  	_ =	shalt  }
0x42: {  	_ =	shalt  }
0x43: {  	_ =	shalt  }
0x44: {  	_ =	shalt  }
0x45: {  	_ =	shalt  }
0x46: {  	_ =	shalt  }
0x47: {  	_ =	shalt  }
0x48: {  	_ =	shalt  }
0x49: {  	_ =	shalt  }
0x4a: {  	_ =	shalt  }
0x4b: {  	_ =	shalt  }
0x4c: {  	_ =	shalt  }
0x4d: {  	_ =	shalt  }
0x4e: {  	_ =	shalt  }
0x4f: {  	_ =	shalt  }
0x50: {  	_ =	shalt  }
0x51: {  	_ =	shalt  }
0x52: {  	_ =	shalt  }
0x53: {  	_ =	shalt  }
0x54: {  	_ =	shalt  }
0x55: {  	_ =	shalt  }
0x56: {  	_ =	shalt  }
0x57: {  	_ =	shalt  }
0x58: {  	_ =	shalt  }
0x59: {  	_ =	shalt  }
0x5a: {  	_ =	shalt  }
0x5b: {  	_ =	shalt  }
0x5c: {  	_ =	shalt  }
0x5d: {  	_ =	shalt  }
0x5e: {  	_ =	shalt  }
0x5f: {  	_ =	shalt  }
0x60: {  	_ =	shalt  }
0x61: {  	_ =	shalt  }
0x62: {  	_ =	shalt  }
0x63: {  	_ =	shalt  }
0x64: {  	_ =	shalt  }
0x65: {  	_ =	shalt  }
0x66: {  	_ =	shalt  }
0x67: {  	_ =	shalt  }
0x68: {  	_ =	shalt  }
0x69: {  	_ =	shalt  }
0x6a: {  	_ =	shalt  }
0x6b: {  	_ =	shalt  }
0x6c: {  	_ =	shalt  }
0x6d: {  	_ =	shalt  }
0x6e: {  	_ =	shalt  }
0x6f: {  	_ =	shalt  }
0x70: {  	_ =	shalt  }
0x71: {  	_ =	shalt  }
0x72: {  	_ =	shalt  }
0x73: {  	_ =	shalt  }
0x74: {  	_ =	shalt  }
0x75: {  	_ =	shalt  }
0x76: {  	_ =	shalt  }
0x77: {  	_ =	shalt  }
0x78: {  	_ =	shalt  }
0x79: {  	_ =	shalt  }
0x7a: {  	_ =	shalt  }
0x7b: {  	_ =	shalt  }
0x7c: {  	_ =	shalt  }
0x7d: {  	_ =	shalt  }
0x7e: {  	_ =	shalt  }
0x7f: {  	_ =	shalt  }
0x80: {  	_ =	shalt  }
0x81: {  	_ =	shalt  }
0x82: {  	_ =	shalt  }
0x83: {  	_ =	shalt  }
0x84: {  	_ =	shalt  }
0x85: {  	_ =	shalt  }
0x86: {  	_ =	shalt  }
0x87: {  	_ =	shalt  }
.Lfunc_end0:
.L_simem_size_0:
called_computation_lowered:
.L_overlay_start_0:
0x88: {  	s0 =	sld [smem:$0x3FD9]  }
0x89: {  	s1 =	sld [smem:$0x3FFE];
	_ =	sdelay $0x3  }
0x8a: {  	s0 =	sadd.s32 s1, s0  }
0x8b: {  	[smem:$0x3FC6] =	sst s0  }
0x8c: {  	_ = 	snop  }
0x8d: {  	(tm) =	ssettm $0x1  }
0x8e: {  	s15 =	sld [smem:$0x3FFB];
	_ =	sdelay $0x3  }
0x8f: {  	_ =	strace s15  }
0x90: {  	s0 =	sld [smem:$0x3FFC];
	_ =	sdelay $0x3  }
0x91: {  	_ =	strace s0  }
0x92: {  	s0 =	sld [smem:$0x3FFD];
	_ =	sdelay $0x3  }
0x93: {  	_ =	strace s0  }
0x94: {  	_ =	strace $0x8FFFFFFF  }
0x95: {  	s16 =	sld [smem:$0x3FDB];
	_ =	sdelay $0x1  }
0x96: {  	s17 =	simm.s32 $_scs_section_size  }
0x97: {  	s2 =	simm.s32 $_size__tile_overlayer_lowered;
	s3 =	simm.s32 $_tile_overlayer_lowered  }
0x98: {  	s20 =	simm.s32 $0x1BFF;
	s19 =	sshll.u32 s3, $0x1;
	s0 =	sadd.s32 s17, s16  }
0x99: {  	s4 =	simm.s32 $0x0;
	s18 =	sshll.u32 s2, $0x1;
	s2 =	sadd.s32 s19, s0  }
0x9a: {  	[timem:s4], [sflag:s20] =	dma.local [hbm:s2], s18  }
0x9b: {  	_ =	swait.ge [sflag:s20], s18  }
0x9c: {  	s1 =	ssub.s32 $0x0, s18;
	[sflag:s20] =	ssyncset.done $0x0  }
0x9d: {  	[sflag:s20] =	ssyncadd.s32 s1;
	_ =	sdelay $0x1  }
0x9e: {  	s21 =	simm.s32 $0x1B8B  }
0x9f: {  	_ =	swait.ge [sflag:s21], $0x1  }
0xa0: {  	[sflag:s21] =	ssyncset.done $0x0  }
0xa1: {  	s23 =	simm.s32 $0x1B8E;
	s22 =	sld [smem:$0x3FFE];
	[sflag:s21] =	ssyncadd.s32 $0xFFFFFFFF  }
0xa2: {  	s24 =	simm.s32 $execute0_lowered;
	[smem:$0x3FD2] =	sst s23  }
0xa3: {  	s2 =	sshll.u32 s24, $0x1;
	_ =	strace $0x80000046;
	[dreg:$0x1] =	wrdreg $0xFFFFFFFF  }
0xa4: {  	s25 =	simm.s32 $_size_execute0_lowered;
	s0 =	sadd.s32 s0, s2;
	[dreg:$0x0] =	wrdreg $0x0  }
0xa5: {  	s2 =	sshll.u32 s25, $0x1;
	[dreg:$0x2] =	wrdreg s0  }
0xa6: {  	[dreg:$0x3] =	wrdreg s2  }
0xa7: {  	[dreg:$0x4] =	wrdreg $0xC0  }
0xa8: {  	_ =	task [dreg:s4], $0x5FFFF  }
0xa9: {  	[dreg:$0x1] =	wrdreg $0xFFFFFFFF  }
0xaa: {  	[dreg:$0x0] =	wrdreg $0x60  }
0xab: {  	[dreg:$0x2] =	wrdreg s22  }
0xac: {  	[dreg:$0x3] =	wrdreg $0x28000  }
0xad: {  	[dreg:$0x4] =	wrdreg $0x9  }
0xae: {  	_ =	task.clear_ibuf [dreg:s4], $0x5FFFF;
	_ =	strace $0x90000046  }
0xaf: {  	s26 =	simm.s32 $0x9;
	_ =	strace $0x80000048  }
0xb0: {  	_ =	swait.ge [sflag:s26], $0x1  }
0xb1: {  	[sflag:s26] =	ssyncadd.s32 $0xFFFFFFFF  }
0xb2: {  	_ =	strace $0x90000048  }
0xb3: {  	_ =	sfence  }
0xb4: {  	s28 =	sld [smem:$0x0];
	_ =	sdelay $0x1  }
0xb5: {  	s29 =	srdreg.scid  }
0xb6: {  	s30 =	sshll.u32 s29, $0xD;
	s31 =	sshrl.u32 s29, $0x2  }
0xb7: {  	s1 =	sand.u32 $0x1, s29;
	s2 =	sand.u32 $0x4000, s30;
	s0 =	sadd.s32 s31, s28  }
0xb8: {  	s1 =	sor.u32 s2, s1;
	s0 =	sshll.u32 s0, $0x11  }
0xb9: {  	s0 =	sor.u32 s0, s1  }
0xba: {  	s0 =	sadd.s32 $0x8F2B, s0  }
0xbb: {  	[sflag:s0] =	ssyncadd.remote.s32 $0x1  }
0xbc: {  	_ =	sfence.sel $0xFFFF  }
0xbd: {  	[dreg:$0x0] =	wrdreg $0xFFFFFFFF;
	(pc) =	sbr.abs _section_cstart, $3  }
0xbe: {  	[dreg:$0x1] =	wrdreg $0xFFFFFFFF  }
0xbf: {  	_ =	task.clear_ibuf [dreg:s4], $0x2FFFF;
	_ =	strace $0x9FFFFFFF  }
0xc0: {  	(tm) =	ssettm $0x7FFFFFFF  }
0xc1: {  	_ =	shalt  }
tec
execute0_lowered:
.L_overlay_start_1:
0x0: {  	(tag) =	ssettag $0x1  }
0x1: {  	s0 =	stileid.u32  }
0x2: {  	s2 =	smul.u32 $0x500, s0  }
0x3: {  	s3 =	rddreg [dreg:$0x0];
	s1 =	simm.s32 $0x0  }
0x4: {  	[smem:$0x7FF] =	sst s1;
	s4 =	sshrl.u32 s2, $0x3  }
0x5: {  	s5 =	simm.s32 $0x1;
	_ =	strace $0x80000047;
	s4 =	sadd.s32 s3, s4  }
0x6: {  	[tilespmem:s1], [sflag:$0x1] =	stream.linear.gather [hbm4b:s4+s1], $0x500, $0x38;
	[tilespmem:$0x2860] =	vst v63  }
0x7: {  	_ =	swait.ge [sflag:s5], $0x500  }
0x8: {  	[sflag:s5] =	ssyncset.done $0x0  }
0x9: {  	s7 =	simm.s32 $0x500;
	s6 =	sadd.s32 $0xA00, s4;
	[sflag:s5] =	ssyncadd.s32 $0xFFFFFB00  }
0xa: {  	[tilespmem:s7], [sflag:$0x1] =	stream.linear.gather [hbm4b:s6+s1], $0x500, $0x38;
	[tilespmem:$0x2860] =	vst v63  }
0xb: {  	_ =	swait.ge [sflag:s5], $0x500  }
0xc: {  	[sflag:s5] =	ssyncset.done $0x0  }
0xd: {  	s28 =	simm.s32 $0xA00;
	s26 =	sadd.s32 $0x1400, s4;
	[sflag:s5] =	ssyncadd.s32 $0xFFFFFB00  }
0xe: {  	[tilespmem:s28], [sflag:$0x1] =	stream.linear.gather [hbm4b:s26+s1], $0x500, $0x38;
	[tilespmem:$0x2860] =	vst v63  }
0xf: {  	_ =	swait.ge [sflag:s5], $0x500  }
0x10: {  	[sflag:s5] =	ssyncset.done $0x0  }
0x11: {  	s30 =	simm.s32 $0xF00;
	s29 =	sadd.s32 $0x1E00, s4;
	[sflag:s5] =	ssyncadd.s32 $0xFFFFFB00  }
0x12: {  	[tilespmem:s30], [sflag:$0x1] =	stream.linear.gather [hbm4b:s29+s1], $0x500, $0x38;
	[tilespmem:$0x2860] =	vst v63  }
0x13: {  	_ =	swait.ge [sflag:s5], $0x500  }
0x14: {  	[sflag:s5] =	ssyncset.done $0x0  }
0x15: {  	s31 =	simm.s32 $0x1400;
	s4 =	sadd.s32 $0x2800, s4;
	[sflag:s5] =	ssyncadd.s32 $0xFFFFFB00  }
0x16: {  	[tilespmem:s31], [sflag:$0x1] =	stream.linear.gather [hbm4b:s4+s1], $0x500, $0x38;
	[tilespmem:$0x2860] =	vst v63  }
0x17: {  	_ =	swait.ge [sflag:s5], $0x500  }
0x18: {  	[sflag:s5] =	ssyncset.done $0x0  }
0x19: {  	s1 =	simm.s32 $0x1440;
	[sflag:s5] =	ssyncadd.s32 $0xFFFFFB00  }
0x1a: {  	v0 =	vld [tilespmem:s1+$0x30]  }
0x1b: {  	v6 =	vld [tilespmem:s1+$0xFFFFFFD0]  }
0x1c: {  	v5 =	vld [tilespmem:s1+$0xFFFFFFE0]  }
0x1d: {  	v4 =	vld [tilespmem:s1+$0xFFFFFFF0]  }
0x1e: {  	v3 =	vld [tilespmem:s1+$0x0]  }
0x1f: {  	s3 =	sadd.s32 $0x3200, s3;
	v2 =	vld [tilespmem:s1+$0x10];
	vm0 =	vgt.f32 v0, $5.000000000e-01  }
0x20: {  	v1 =	vld [tilespmem:s1+$0x20];
	[dreg:$0x3] =	wrdreg s3;
	vm1 =	vgt.f32 v6, $5.000000000e-01;
	v7 =	vnsel vm0, $0xF149F2CA, v0  }
0x21: {  	s4 =	simm.s32 $0x14C0;
	s3 =	simm.s32 $0x0;
	v0 =	vld [tilespmem:s1+$0xFFFFFFC0];
	v6 =	vnsel vm1, $0xF149F2CA, v6;
	vm0 =	vgt.f32 v5, $5.000000000e-01;
	[tilespmem:s1+$0x30] =	vst v7  }
.LBB2_1:
0x22: {  	v7 =	vld [tilespmem:s4+$0x30];
	s3 =	sadd.s32 $0x8, s3;
	[tilespmem:s1+$0xFFFFFFD0] =	vst v6;
	v5 =	vnsel vm0, $0xF149F2CA, v5;
	vm0 =	vgt.f32 v4, $5.000000000e-01  }
0x23: {  	v6 =	vld [tilespmem:s4+$0xFFFFFFD0];
	p0 =	slt.u32 s3, $0x48;
	[tilespmem:s1+$0xFFFFFFE0] =	vst v5;
	v4 =	vnsel vm0, $0xF149F2CA, v4;
	vm0 =	vgt.f32 v3, $5.000000000e-01  }
0x24: {  	v5 =	vld [tilespmem:s4+$0xFFFFFFE0];
	[tilespmem:s1+$0xFFFFFFF0] =	vst v4;
	v3 =	vnsel vm0, $0xF149F2CA, v3;
	vm0 =	vgt.f32 v2, $5.000000000e-01  }
.Ltmp0:
0x25: {  	v4 =	vld [tilespmem:s4+$0xFFFFFFF0];
	[tilespmem:s1+$0x0] =	vst v3;
	v2 =	vnsel vm0, $0xF149F2CA, v2;
	vm0 =	vgt.f32 v1, $5.000000000e-01;
	(pc) =	sbr.rel @p0 .LBB2_1-.Ltmp0, $4  }
0x26: {  	v3 =	vld [tilespmem:s4+$0x0];
	vm1 =	vgt.f32 v0, $5.000000000e-01;
	[tilespmem:s1+$0x10] =	vst v2;
	v1 =	vnsel vm0, $0xF149F2CA, v1  }
0x27: {  	v2 =	vld [tilespmem:s4+$0x10];
	vm0 =	vgt.f32 v7, $5.000000000e-01;
	v0 =	vnsel vm1, $0xF149F2CA, v0;
	[tilespmem:s1+$0x20] =	vst v1  }
0x28: {  	vm1 =	vgt.f32 v6, $5.000000000e-01;
	v1 =	vld [tilespmem:s4+$0x20];
	v7 =	vnsel vm0, $0xF149F2CA, v7;
	[tilespmem:s1+$0xFFFFFFC0] =	vst v0;
	s1 =	smov.u32 s4  }
0x29: {  	s4 =	sadd.s32 $0x80, s4;
	v0 =	vld [tilespmem:s1+$0xFFFFFFC0];
	v6 =	vnsel vm1, $0xF149F2CA, v6;
	vm0 =	vgt.f32 v5, $5.000000000e-01;
	[tilespmem:s1+$0x30] =	vst v7  }
0x2a: {  	v5 =	vnsel vm0, $0xF149F2CA, v5  }
0x2b: {  	v7 =	vimm.f32 $1.500000000e+01;
	vm9 =	vcmask $0x300;
	vm1 =	vgt.f32 v4, $5.000000000e-01  }
0x2c: {  	vm10 =	vcmask $0x704;
	vm11 =	vcmask $0xB08;
	v7 =	vsel vm9, $0x0, v7  }
0x2d: {  	vm13 =	vcmask $0xF0C;
	vm14 =	vcmask $0x1310;
	v7 =	vsel vm10, $0x3F800000, v7  }
0x2e: {  	vm4 =	vcmask $0x1714;
	vm5 =	vcmask $0x1B18;
	v7 =	vsel vm11, $0x40000000, v7  }
0x2f: {  	vm7 =	vcmask $0x1F1C;
	vm8 =	vcmask $0x2320;
	v7 =	vsel vm13, $0x40400000, v7  }
0x30: {  	v4 =	vnsel vm1, $0xF149F2CA, v4;
	vm15 =	vgt.f32 v2, $5.000000000e-01;
	v7 =	vsel vm14, $0x40800000, v7  }
0x31: {  	vm12 =	vgt.f32 v3, $5.000000000e-01;
	v8 =	vnsel vm15, $0xF149F2CA, v2;
	v2 =	vsel vm4, $0x40A00000, v7  }
0x32: {  	v3 =	vnsel vm12, $0xF149F2CA, v3;
	vm6 =	vgt.f32 v1, $5.000000000e-01;
	v2 =	vsel vm5, $0x40C00000, v2  }
0x33: {  	s3 =	sshll.u32 s0, $0x4;
	[tilespmem:s1+$0xFFFFFFD0] =	vst v6;
	vm10 =	vcmask $0x2724;
	v7 =	vnsel vm6, $0xF149F2CA, v1;
	v1 =	vsel vm7, $0x40E00000, v2  }
0x34: {  	s4 =	rddreg [dreg:$0x1];
	s2 =	scvt.s32.f32 s2;
	s11 =	simm.s32 $0xF00;
	[tilespmem:s1+$0xFFFFFFE0] =	vst v5;
	vm12 =	vcmask $0x2F2C;
	vm9 =	vgt.f32 v0, $5.000000000e-01;
	v1 =	vsel vm8, $0x41000000, v1  }
0x35: {  	s9 =	scvt.s32.f32 s0;
	s25 =	simm.s32 $0x0;
	s12 =	simm.s32 $0x1900;
	[tilespmem:s1+$0xFFFFFFF0] =	vst v4;
	vm11 =	vcmask $0x2B28;
	v9 =	vnsel vm9, $0xF149F2CA, v0;
	v0 =	vsel vm10, $0x41100000, v1  }
0x36: {  	s13 =	simm.s32 $0x1;
	s14 =	simm.s32 $0x1910;
	s15 =	simm.s32 $0x1920;
	[tilespmem:s1+$0x0] =	vst v3;
	vm13 =	vcmask $0x3330;
	v2 =	vmov s2;
	v0 =	vsel vm11, $0x41200000, v0  }
0x37: {  	s16 =	simm.s32 $0x1930;
	s17 =	simm.s32 $0x1940;
	s18 =	simm.s32 $0x1950;
	vm14 =	vcmask $0x3734;
	[tilespmem:$0x1FFE0] =	vst v2;
	v1 =	vsel vm12, $0x41300000, v0;
	v0 =	vlaneseq.u32  }
0x38: {  	s19 =	simm.s32 $0x1980;
	p0 =	sne.s32 s0, $0x0;
	s20 =	simm.s32 $0x1F80;
	v2 =	vmov s9;
	[tilespmem:s1+$0x10] =	vst v8;
	v4 =	vsel vm13, $0x41400000, v1;
	v1 =	vmul.u32 $0x10, v0  }
0x39: {  	v10 =	vimm.f32 $0.0e+00;
	s21 =	simm.s32 $0x2000;
	s22 =	simm.s32 $0x2080;
	s3 =	sadd.s32 s3, s4;
	vm15 =	vcmask $0x3B38;
	[tilespmem:$0x1FFF0] =	vst v2;
	v4 =	vsel vm14, $0x41500000, v4  }
0x3a: {  	s23 =	simm.s32 $0x2100;
	s4 =	sadd.s32 $0x100, s3;
	s6 =	sadd.s32 $0x300, s3;
	[tilespmem:s1+$0x20] =	vst v7;
	v4 =	vsel vm15, $0x41600000, v4;
	v5 =	vor.u32 $0xF, v1;
	v6 =	vor.u32 $0x100, v1  }
0x3b: {  	s5 =	sadd.s32 $0x200, s3;
	s7 =	sadd.s32 $0x400, s3;
	s8 =	sadd.s32 $0x500, s3;
	[tilespmem:s1+$0xFFFFFFC0] =	vst v9;
	v7 =	vor.u32 $0x200, v1;
	v8 =	vor.u32 $0x300, v1;
	v9 =	vor.u32 $0x400, v1  }
.LBB2_3:
0x3c: {  	v13 =	vimm.f32 $-1.000000020e+30  }
0x3d: {  	v14 =	vimm.f32 $1.000000020e+30;
	s2 =	simm.f32 $1.000000020e+30;
	s9 =	simm.f32 $-1.000000000e+00;
	v12 =	vimm.f32 $1.000000020e+30;
	v11 =	vimm.f32 $-1.000000020e+30;
	s0 =	simm.s32 $0x0  }
.LBB2_4:
0x3e: {  	s1 =	simm.s32 $0x1440;
	s10 =	simm.s32 $0x0;
	s24 =	simm.s32 $0x10  }
0x3f: {  	v17 =	vld [tilespmem:s1+$0xFFFFFFC0];
	s10 =	scvt.s32.f32 s10;
	s24 =	scvt.s32.f32 s24  }
0x40: {  	v23 =	vld [tilespmem:s1+$0x10]  }
0x41: {  	v21 =	vld [tilespmem:s1+$0xFFFFFFE0];
	v18 =	vadd.f32 s10, v4;
	s10 =	simm.s32 $0x20;
	v24 =	vadd.f32 s24, v4;
	s24 =	simm.s32 $0x40  }
0x42: {  	v15 =	vmov s2;
	v16 =	vmov s9;
	s26 =	simm.s32 $0x50;
	v22 =	vld [tilespmem:s1+$0xFFFFFFF0];
	s2 =	scvt.s32.f32 s10;
	s9 =	scvt.s32.f32 s24  }
0x43: {  	v25 =	vld [tilespmem:s1+$0xFFFFFFD0];
	s10 =	scvt.s32.f32 s26;
	vm2 =	vgt.f32 v18, v16;
	vm3 =	vgt.f32 v24, v16  }
0x44: {  	vm1 =	veq.f32 v17, v15;
	v26 =	vadd.f32 s2, v4;
	v20 =	vadd.f32 s9, v4  }
0x45: {  	v19 =	vadd.f32 s10, v4;
	vm1 =	vmand vm2, vm1;
	vm2 =	vlt.f32 v17, v15  }
0x46: {  	s28 =	simm.s32 $0x30;
	v27 =	vld [tilespmem:s1+$0x0];
	vm4 =	veq.f32 v23, v15;
	vm5 =	veq.f32 v21, v15;
	vm1 =	vmor vm2, vm1  }
0x47: {  	s2 =	scvt.s32.f32 s28;
	vm6 =	veq.f32 v22, v15;
	v28 =	vnsel vm1, $0xF149F2CA, v17;
	vm1 =	vgt.f32 v26, v16  }
0x48: {  	vm2 =	vlt.f32 v21, v15;
	vm1 =	vmand vm1, vm5;
	vm5 =	veq.f32 v25, v15  }
0x49: {  	v29 =	vadd.f32 s2, v4;
	vm3 =	vmand vm3, vm5;
	vm5 =	vgt.f32 v19, v16  }
0x4a: {  	v17 =	vld [tilespmem:s1+$0x30];
	vm1 =	vmor vm2, vm1;
	vm2 =	vlt.f32 v25, v15;
	vm4 =	vmand vm5, vm4  }
0x4b: {  	vm5 =	vgt.f32 v20, v16;
	vm2 =	vmor vm2, vm3;
	vm3 =	veq.f32 v27, v15  }
0x4c: {  	v31 =	vnsel vm1, $0xF149F2CA, v21;
	vm3 =	vmand vm5, vm3;
	vm5 =	vgt.f32 v29, v16  }
0x4d: {  	s29 =	simm.s32 $0x60;
	v25 =	vnsel vm2, $0xF149F2CA, v25;
	vm2 =	vlt.f32 v27, v15;
	vm5 =	vmand vm5, vm6  }
0x4e: {  	s2 =	scvt.s32.f32 s29;
	vm6 =	vgt.f32 v28, v13;
	vm2 =	vmor vm2, vm3;
	vm3 =	vlt.f32 v23, v15  }
0x4f: {  	v28 =	vmax.f32 v13, v28;
	vm0 =	vlt.f32 v17, v15;
	v30 =	vsel vm6, v18, v14  }
0x50: {  	v21 =	vld [tilespmem:s1+$0x20];
	v18 =	vadd.f32 s2, v4;
	vm3 =	vmor vm3, vm4;
	vm4 =	vlt.f32 v22, v15  }
0x51: {  	s30 =	simm.s32 $0x70;
	v32 =	vmax.f32 v28, v25;
	v27 =	vnsel vm2, $0xF149F2CA, v27;
	vm2 =	vgt.f32 v25, v28  }
0x52: {  	s31 =	scvt.s32.f32 s30;
	vm1 =	vmor vm4, vm5;
	v34 =	vmax.f32 v32, v31;
	v23 =	vnsel vm3, $0xF149F2CA, v23  }
0x53: {  	v24 =	vsel vm2, v24, v30;
	vm2 =	vgt.f32 v31, v32;
	vm4 =	vgt.f32 v18, v16  }
0x54: {  	v33 =	vnsel vm1, $0xF149F2CA, v22;
	vm1 =	veq.f32 v17, v15;
	v22 =	vadd.f32 s31, v4  }
0x55: {  	v24 =	vsel vm2, v26, v24;
	vm7 =	vlt.f32 v21, v15;
	vm2 =	vgt.f32 v33, v34  }
0x56: {  	vm3 =	vgt.f32 v22, v16;
	v25 =	vsel vm2, v29, v24;
	v24 =	vmax.f32 v34, v33  }
0x57: {  	vm3 =	vmand vm3, vm1;
	vm1 =	veq.f32 v21, v15;
	vm6 =	vgt.f32 v27, v24  }
0x58: {  	s24 =	simm.s32 $0x14C0;
	s1 =	simm.s32 $0x0;
	s2 =	simm.s32 $0xF0;
	v24 =	vmax.f32 v24, v27;
	vm2 =	vmand vm4, vm1;
	vm3 =	vmor vm0, vm3  }
.LBB2_5:
0x59: {  	s9 =	sadd.s32 $0xFFFFFF90, s2;
	vm4 =	vgt.f32 v23, v24;
	vm1 =	vmor vm7, vm2  }
0x5a: {  	v26 =	vld [tilespmem:s24+$0xFFFFFFC0];
	s10 =	sadd.s32 $0xFFFFFFA0, s2;
	v27 =	vnsel vm3, $0xF149F2CA, v17;
	s26 =	sadd.s32 $0xFFFFFFF0, s2;
	v20 =	vsel vm6, v20, v25;
	v23 =	vmax.f32 v24, v23;
	s9 =	scvt.s32.f32 s9  }
0x5b: {  	s28 =	sadd.s32 $0xFFFFFFB0, s2;
	v28 =	vld [tilespmem:s24+$0x10];
	v2 =	vimm.s32 $0x0;
	s10 =	scvt.s32.f32 s10;
	v24 =	vnsel vm1, $0xF149F2CA, v21;
	s26 =	scvt.s32.f32 s26;
	v19 =	vsel vm4, v19, v20  }
0x5c: {  	v29 =	vld [tilespmem:s24+$0xFFFFFFE0];
	s28 =	scvt.s32.f32 s28;
	vm1 =	vgt.f32 v24, v23;
	v20 =	vmax.f32 v23, v24;
	v23 =	vadd.f32 s9, v4  }
0x5d: {  	s30 =	sadd.s32 $0xFFFFFFD0, s2;
	v30 =	vld [tilespmem:s24+$0x0];
	v25 =	vadd.f32 s10, v4;
	v19 =	vsel vm1, v18, v19;
	v18 =	vadd.f32 s26, v4  }
0x5e: {  	s29 =	sadd.s32 $0xFFFFFFE0, s2;
	v31 =	vld [tilespmem:s24+$0xFFFFFFD0];
	s9 =	scvt.s32.f32 s30;
	vm1 =	vgt.f32 v27, v20;
	v27 =	vmax.f32 v20, v27;
	v32 =	vadd.f32 s28, v4  }
0x5f: {  	v17 =	vld [tilespmem:s24+$0x30];
	s10 =	scvt.s32.f32 s29;
	v22 =	vsel vm1, v22, v19;
	vm2 =	veq.f32 v26, v15;
	vm3 =	vgt.f32 v23, v16  }
0x60: {  	s31 =	sadd.s32 $0xFFFFFFC0, s2;
	vm0 =	vgt.f32 v18, v16;
	vm6 =	vlt.f32 v26, v15;
	v20 =	vadd.f32 s9, v4  }
0x61: {  	v24 =	vld [tilespmem:s24+$0xFFFFFFF0];
	s30 =	scvt.s32.f32 s31;
	v19 =	vadd.f32 s10, v4;
	vm10 =	vlt.f32 v29, v15;
	vm11 =	veq.f32 v28, v15  }
0x62: {  	vm12 =	veq.f32 v29, v15;
	vm8 =	vlt.f32 v28, v15;
	vm14 =	vlt.f32 v30, v15  }
0x63: {  	vm15 =	veq.f32 v31, v15;
	v34 =	vadd.f32 s30, v4;
	vm5 =	veq.f32 v30, v15  }
0x64: {  	vm1 =	vmand vm3, vm2;
	v2 =	vsel vm0, $0xFFFFFFFF, v2;
	vm0 =	veq.f32 v17, v15  }
0x65: {  	vm3 =	vgt.f32 v25, v16;
	[tilespmem:$0x1FFC0] =	vst v2;
	v2 =	vimm.s32 $0x0;
	vm9 =	vmor vm6, vm1  }
0x66: {  	vm6 =	vlt.f32 v24, v15;
	vm13 =	veq.f32 v24, v15;
	v2 =	vsel vm0, $0xFFFFFFFF, v2  }
0x67: {  	vm1 =	vlt.f32 v31, v15;
	vm0 =	vlt.f32 v17, v15;
	[tilespmem:$0x1FFB0] =	vst v2;
	v2 =	vimm.s32 $0x0  }
0x68: {  	vm3 =	vmand vm3, vm15;
	v26 =	vnsel vm9, $0xF149F2CA, v26;
	v2 =	vsel vm0, $0xFFFFFFFF, v2  }
0x69: {  	vm9 =	vgt.f32 v32, v16;
	vm1 =	vmor vm1, vm3;
	vm3 =	vgt.f32 v34, v16;
	[tilespmem:$0x1FFD0] =	vst v2;
	v2 =	vld [tilespmem:$0x1FFB0]  }
0x6a: {  	v33 =	vmax.f32 v27, v26;
	vm2 =	vgt.f32 v26, v27;
	vm9 =	vmand vm9, vm12  }
0x6b: {  	vm12 =	vgt.f32 v19, v16;
	v26 =	vnsel vm1, $0xF149F2CA, v31;
	vm1 =	vmand vm3, vm13  }
0x6c: {  	vm0 =	vgt.f32 v20, v16;
	vm9 =	vmor vm10, vm9;
	vm15 =	vmand vm12, vm11  }
0x6d: {  	v27 =	vsel vm2, v23, v22;
	v31 =	vmax.f32 v33, v26;
	vm2 =	vmor vm8, vm15  }
0x6e: {  	vm0 =	vmand vm0, vm5;
	v23 =	vnsel vm2, $0xF149F2CA, v28;
	vm2 =	vnez.u8 v2;
	v2 =	vld [tilespmem:$0x1FFC0]  }
0x6f: {  	vm1 =	vmor vm6, vm1;
	v29 =	vnsel vm9, $0xF149F2CA, v29;
	vm0 =	vmor vm14, vm0  }
0x70: {  	v36 =	vnsel vm1, $0xF149F2CA, v24;
	v24 =	vnsel vm0, $0xF149F2CA, v30;
	vm0 =	vgt.f32 v26, v33  }
0x71: {  	v21 =	vld [tilespmem:s24+$0x20];
	v35 =	vmax.f32 v31, v29;
	v25 =	vsel vm0, v25, v27;
	vm0 =	vgt.f32 v29, v31  }
0x72: {  	v25 =	vsel vm0, v32, v25;
	vm0 =	vgt.f32 v36, v35  }
0x73: {  	s1 =	sadd.s32 $0x8, s1;
	s31 =	scvt.s32.f32 s2;
	v25 =	vsel vm0, v34, v25;
	vm0 =	vnez.u8 v2;
	v2 =	vld [tilespmem:$0x1FFD0]  }
0x74: {  	p1 =	slt.u32 s1, $0x48  }
.Ltmp1:
0x75: {  	v22 =	vadd.f32 s31, v4;
	(pc) =	sbr.rel @p1 .LBB2_5-.Ltmp1, $4  }
0x76: {  	vm4 =	veq.f32 v21, v15  }
0x77: {  	vm7 =	vlt.f32 v21, v15;
	vm1 =	vgt.f32 v22, v16;
	v63 =	vmax.f32 v35, v36  }
0x78: {  	vm1 =	vmand vm1, vm2;
	vm2 =	vmand vm0, vm4;
	vm0 =	vnez.u8 v2  }
0x79: {  	s24 =	sadd.s32 $0x80, s24;
	s2 =	sadd.s32 $0x80, s2;
	vm6 =	vgt.f32 v24, v63;
	v24 =	vmax.f32 v63, v24;
	vm3 =	vmor vm0, vm1  }
0x7a: {  	vm0 =	vmor vm7, vm2  }
0x7b: {  	v15 =	vmax.f32 v24, v23;
	v16 =	vnsel vm0, $0xF149F2CA, v21  }
0x7c: {  	v17 =	vnsel vm3, $0xF149F2CA, v17;
	v21 =	vmax.f32 v15, v16  }
0x7d: {  	v26 =	vmax.f32 v21, v17  }
0x7e: {  	(xrf0) =	vmax.scan.msk.f32 $0xffff, v26;
	_ =	sdelay $0x5  }
0x7f: {  	vm11 =	vgt.f32 v23, v24;
	v20 =	vsel vm6, v20, v25;
	v62, _, _ =	vpop (xrf0)  }
0x80: {  	v19 =	vsel vm11, v19, v20;
	vm12 =	vgt.f32 v16, v15;
	v15 =	vbroadcast v62, $0xF  }
0x81: {  	v16 =	vsel vm12, v18, v19;
	vm13 =	vgt.f32 v17, v21  }
0x82: {  	v16 =	vsel vm13, v22, v16;
	vm14 =	veq.f32 v26, v15  }
0x83: {  	v16 =	vnsel vm14, $0x7149F2CA, v16  }
0x84: {  	(xrf0) =	vmin.scan.msk.f32 $0xffff, v16;
	_ =	sdelay $0x5  }
0x85: {  	(v2sf) =	vpush v62, $0xF;
	v16, _, _ =	vpop (xrf0)  }
0x86: {  	(v2sf) =	vpush v16, $0xF;
	_ =	sdelay $0x8  }
0x87: {  	v63 =	vmov s0;
	s0 =	sadd.s32 $0x1, s0  }
0x88: {  	p1 =	sne.s32 s0, $0x10  }
.Ltmp2:
0x89: {  	_ = 	snop;
	(pc) =	sbr.rel @p1 .LBB2_4-.Ltmp2, $4  }
0x8a: {  	_ = 	snop  }
0x8b: {  	v16 =	vbroadcast v16, $0xF  }
0x8c: {  	vm15 =	veq.s32 v63, v0;
	s2 =	spop (v2sf)  }
0x8d: {  	v11 =	vsel vm15, v15, v11;
	v12 =	vsel vm15, v16, v12;
	s9 =	spop (v2sf)  }
0x8e: {  	v13 =	vmax.f32 v12, $0.0e+00  }
0x8f: {  	v13 =	vmin.f32 v13, $1.279000000e+03  }
0x90: {  	v2 =	vld [tilespmem:$0x1FFE0];
	v13 =	vtrunc.f32 v13  }
0x91: {  	v13 =	vcvt.f32.s32 v13;
	_ =	sdelay $0x3  }
0x92: {  	v12 =	vadd.f32 v12, v2;
	v2 =	vld [tilespmem:$0x1FFF0]  }
0x93: {  	s24 =	simm.s32 $0x0  }
0x94: {  	s0 =	simm.s32 $0x500;
	v14 =	vld.idx.msk [tilespmem:v13+s24+$0x0], $0xffff  }
0x95: {  	s30 =	simm.s32 $0xA00;
	v12 =	vmul.f32 $1.600000000e+01, v12;
	v15 =	vld.idx.msk [tilespmem:v13+s0+$0x0], $0xffff  }
0x96: {  	v16 =	vld.idx.msk [tilespmem:v13+s30+$0x0], $0xffff  }
0x97: {  	v13 =	vld.idx.msk [tilespmem:v13+s11+$0x0], $0xffff;
	v12 =	vadd.f32 v12, v2  }
0x98: {  	[tilespmem:$0x1900] =	vst v11  }
0x99: {  	v12 =	vmul.f32 $1.600000000e+01, v12;
	[tilespmem:$0x1920] =	vst v14  }
0x9a: {  	[tilespmem:$0x1930] =	vst v15  }
0x9b: {  	v12 =	vadd.f32 v4, v12;
	[tilespmem:$0x1940] =	vst v16  }
0x9c: {  	[tilespmem:$0x1950] =	vst v13  }
0x9d: {  	[tilespmem:$0x1910] =	vst v12  }
0x9e: {  	[spmem:s3] =	stream.linear.scatter [tilespmem:s12], [sflag:$0x1], $0x10, $0x38;
	[tilespmem:$0x2860] =	vst v63  }
0x9f: {  	_ =	swait.ge [sflag:s13], $0x10  }
0xa0: {  	[sflag:s13] =	ssyncset.done $0x0  }
0xa1: {  	[sflag:s13] =	ssyncadd.s32 $0xFFFFFFF0  }
0xa2: {  	[spmem:s4] =	stream.linear.scatter [tilespmem:s14], [sflag:$0x1], $0x10, $0x38;
	[tilespmem:$0x2860] =	vst v63  }
0xa3: {  	_ =	swait.ge [sflag:s13], $0x10  }
0xa4: {  	[sflag:s13] =	ssyncset.done $0x0  }
0xa5: {  	[sflag:s13] =	ssyncadd.s32 $0xFFFFFFF0  }
0xa6: {  	[spmem:s5] =	stream.linear.scatter [tilespmem:s15], [sflag:$0x1], $0x10, $0x38;
	[tilespmem:$0x2860] =	vst v63  }
0xa7: {  	_ =	swait.ge [sflag:s13], $0x10  }
0xa8: {  	[sflag:s13] =	ssyncset.done $0x0  }
0xa9: {  	[sflag:s13] =	ssyncadd.s32 $0xFFFFFFF0  }
0xaa: {  	[spmem:s6] =	stream.linear.scatter [tilespmem:s16], [sflag:$0x1], $0x10, $0x38;
	[tilespmem:$0x2860] =	vst v63  }
0xab: {  	_ =	swait.ge [sflag:s13], $0x10  }
0xac: {  	[sflag:s13] =	ssyncset.done $0x0  }
0xad: {  	[sflag:s13] =	ssyncadd.s32 $0xFFFFFFF0  }
0xae: {  	[spmem:s7] =	stream.linear.scatter [tilespmem:s17], [sflag:$0x1], $0x10, $0x38;
	[tilespmem:$0x2860] =	vst v63  }
0xaf: {  	_ =	swait.ge [sflag:s13], $0x10  }
0xb0: {  	[sflag:s13] =	ssyncset.done $0x0  }
0xb1: {  	[sflag:s13] =	ssyncadd.s32 $0xFFFFFFF0  }
0xb2: {  	[spmem:s8] =	stream.linear.scatter [tilespmem:s18], [sflag:$0x1], $0x10, $0x38;
	[tilespmem:$0x2860] =	vst v63  }
0xb3: {  	_ =	swait.ge [sflag:s13], $0x10  }
0xb4: {  	[sflag:s13] =	ssyncset.done $0x0  }
0xb5: {  	[sflag:s13] =	ssyncadd.s32 $0xFFFFFFF0  }
0xb6: {  	[bflag:$0x0] =	sbarrier.arrive $0xFFFF  }
0xb7: {  	s31 =	rddreg [dreg:$0x1]  }
0xb8: {  	[tilespmem:s19], [sflag:$0x1] =	stream.linear.gather [spmem:s31], $0x600, $0x38;
	[tilespmem:$0x2860] =	vst v63  }
0xb9: {  	_ =	swait.ge [sflag:s13], $0x600  }
0xba: {  	[sflag:s13] =	ssyncset.done $0x0  }
0xbb: {  	[sflag:s13] =	ssyncadd.s32 $0xFFFFFA00  }
0xbc: {  	[bflag:$0x0] =	sbarrier.arrive $0xFFFF  }
0xbd: {  	v11 =	vld.idx.msk [tilespmem:v1+s19+$0x0], $0xffff;
	_ =	sdelay $0x4  }
0xbe: {  	(xrf0) =	vmax.scan.msk.f32 $0xffff, v11;
	_ =	sdelay $0x5  }
0xbf: {  	v12, _, _ =	vpop (xrf0)  }
0xc0: {  	(v2sf) =	vpush v12, $0xF;
	_ =	sdelay $0xe  }
0xc1: {  	v17 =	vor.u32 $0x500, v1;
	s28 =	spop (v2sf)  }
0xc2: {  	v13 =	vld.idx.msk [tilespmem:v6+s19+$0x0], $0xffff;
	p1 =	sgt.f32 s28, $-1.000000020e+30  }
.Ltmp3:
0xc3: {  	v14 =	vld.idx.msk [tilespmem:v7+s19+$0x0], $0xffff;
	(pc) =	sbr.rel @!p1 .LBB2_22-.Ltmp3, $4  }
.Ltmp4:
0xc4: {  	v15 =	vld.idx.msk [tilespmem:v8+s19+$0x0], $0xffff;
	(pc) =	sbr.rel @p1 .LBB2_8-.Ltmp4, $4  }
0xc5: {  	v16 =	vld.idx.msk [tilespmem:v9+s19+$0x0], $0xffff  }
0xc6: {  	s26 =	simm.s32 $0x64;
	v17 =	vld.idx.msk [tilespmem:v17+s19+$0x0], $0xffff  }
0xc7: {  	v18 =	vimm.f32 $-1.000000020e+30;
	s29 =	smov.u32 s25;
	vm2 =	vmxor vm2, vm2;
	s0 =	simm.s32 $0x0;
	v12 =	vld.idx.msk [tilespmem:v5+s19+$0x0], $0xffff;
	s1 =	smov.u32 s28  }
0xc8: {  	_ = 	snop  }
.LBB2_10:
0xc9: {  	v32 =	vmov v29;
	v35 =	vmov v27;
	s2 =	simm.s32 $0x0  }
.LBB2_19:
0xca: {  	_ = 	snop  }
0xcb: {  	v41 =	vmax.f32 v20, v32;
	v42 =	vmax.f32 v19, v33;
	v58 =	vsub.f32 v30, v32  }
0xcc: {  	v59 =	vmin.f32 v21, v30;
	v60 =	vsub.f32 v31, v33;
	v61 =	vmin.f32 v22, v31  }
0xcd: {  	v30 =	vsub.f32 v59, v41;
	v31 =	vsub.f32 v61, v42  }
0xce: {  	v37 =	vadd.f32 @p2 v37, v28;
	v32 =	vmul.f32 v60, v58  }
0xcf: {  	v38 =	vmul.f32 @p2 v40, v38;
	v30 =	vmax.f32 v30, $0.0e+00;
	v31 =	vmax.f32 v31, $0.0e+00  }
0xd0: {  	v30 =	vmul.f32 v31, v30;
	v28 =	vadd.f32 v32, v28  }
0xd1: {  	v33 =	vsub.f32 @p2 v37, v38  }
0xd2: {  	v28 =	vsub.f32 v28, v30  }
0xd3: {  	v31 =	vmax.f32 @p2 v33, $9.999999710e-10  }
0xd4: {  	(erf) = vrcp.f32 @p2 v31;
	v28 =	vmax.f32 v28, $9.999999710e-10;
	_ =	sdelay $0x2  }
0xd5: {  	(erf) = vrcp.f32 v28;
	v28 =	vpop @p3 (erf)  }
0xd6: {  	v28 =	vmul.f32 @p3 v28, v34  }
0xd7: {  	s2 =	sadd.s32 @p4 $0x10, s2;
	s9 =	simm.s32 $0x0  }
0xd8: {  	vm0 =	vlt.s32 @p4 v36, v23;
	vm1 =	vgt.f32 @p4 v39, $8.000000110e-01;
	s9 =	smov.u32 @p4 s2;
	v28 =	vpsel p3, v28, v0  }
0xd9: {  	vm0 =	vmand @p4 vm0, vm1;
	v31 =	vor.u32 @p3 s9, v0  }
0xda: {  	v32 =	vsel @p4 vm0, $0x3F800000, v10;
	v33 =	vmov @p2 v38;
	v31 =	vpsel p3, v31, v0  }
0xdb: {  	s2 =	sadd.s32 @p3 $0x10, s9;
	v29 =	vpsel p2, v33, v29;
	s9 =	simm.s32 $0x0;
	vm0 =	vlt.s32 @p3 v31, v23;
	vm1 =	vgt.f32 @p3 v28, $8.000000110e-01;
	v28 =	vpop @p2 (erf)  }
0xdc: {  	s9 =	smov.u32 @p3 s2;
	v31 =	vmax.f32 @p4 v35, v32;
	vm0 =	vmand @p3 vm0, vm1;
	v28 =	vmul.f32 @p2 v28, v29  }
0xdd: {  	v32 =	vor.u32 @p2 s9, v0;
	v29 =	vpsel p4, v31, v27;
	v31 =	vsel @p3 vm0, $0x3F800000, v10  }
0xde: {  	s2 =	sadd.s32 @p2 $0x10, s9;
	s9 =	simm.s32 $0x0;
	v62 =	vpop (erf);
	v29 =	vmax.f32 @p3 v29, v31;
	v31 =	vpsel p2, v32, v0;
	v28 =	vpsel p2, v28, v0  }
0xdf: {  	s9 =	smov.u32 @p2 s2;
	vm0 =	vlt.s32 @p2 v31, v23;
	vm1 =	vgt.f32 @p2 v28, $8.000000110e-01;
	v28 =	vmul.f32 v62, v30  }
0xe0: {  	v63 =	vor.u32 s9, v0;
	v29 =	vpsel p3, v29, v27;
	vm0 =	vmand @p2 vm0, vm1  }
0xe1: {  	v31 =	vsel @p2 vm0, $0x3F800000, v10;
	vm0 =	vlt.s32 v63, v23;
	vm1 =	vgt.f32 v28, $8.000000110e-01  }
0xe2: {  	v23 =	vmax.f32 @p2 v29, v31;
	vm0 =	vmand vm0, vm1  }
0xe3: {  	v23 =	vpsel p2, v23, v27;
	v27 =	vsel vm0, $0x3F800000, v10  }
0xe4: {  	v27 =	vmax.f32 v23, v27  }
.LBB2_20:
0xe5: {  	v23 =	vpsel p1, $0xF149F2CA, v26  }
0xe6: {  	vm0 =	vgt.f32 v23, $-1.000000020e+30  }
0xe7: {  	v60 =	vnsel vm0, $0x0, v27;
	vm0 =	veq.s32 v24, v0  }
0xe8: {  	vm1 =	vmmov vm2;
	(xrf0) =	vmax.scan.msk.f32 $0xffff, v60;
	v11 =	vsel vm0, v23, v11  }
0xe9: {  	vm1 =	vmneg @p1 vm1;
	(xrf0) =	vmax.scan.msk.f32 $0xffff, v11  }
0xea: {  	vm1 =	vmand vm0, vm1  }
0xeb: {  	v18 =	vsel vm1, v12, v18  }
0xec: {  	(xrf0) =	vmax.scan.msk.f32 $0xffff, v18;
	_ =	sdelay $0x1  }
0xed: {  	v61, _, _ =	vpop (xrf0)  }
0xee: {  	v62, _, _ =	vpop (xrf0);
	(v2sf) =	vpush v61, $0xF  }
0xef: {  	(v2sf) =	vpush v62, $0xF;
	_ =	sdelay $0x1  }
0xf0: {  	v63, _, _ =	vpop (xrf0)  }
0xf1: {  	(v2sf) =	vpush v63, $0xF;
	_ =	sdelay $0x8  }
0xf2: {  	p1 =	sgt.s32 s29, $0x62  }
0xf3: {  	p2 =	slt.f32 @!p1 s1, $5.000000000e-01  }
0xf4: {  	s2 =	spop (v2sf)  }
0xf5: {  	p2 =	por p1, !p2;
	s1 =	spop (v2sf)  }
0xf6: {  	p3 =	sgt.f32 @!p2 s1, $-1.000000020e+30;
	_ =	sdelay $0x1  }
0xf7: {  	s9 =	spop (v2sf);
	p3 =	por p2, !p3  }
0xf8: {  	p4 =	sgt.f32 @!p3 s1, s9;
	_ =	sdelay $0x1  }
0xf9: {  	p4 =	por p3, !p4  }
0xfa: {  	p5 =	sgt.f32 @!p4 s2, $5.000000000e-01;
	_ =	sdelay $0x1  }
0xfb: {  	p5 =	por p4, p5  }
.Ltmp5:
0xfc: {  	_ = 	snop;
	(pc) =	sbr.rel @p5 .LBB2_21-.Ltmp5, $3  }
0xfd: {  	_ =	sdelay $0x1  }
0xfe: {  	s26 =	sadd.s32 $0x1, s29;
	v13 =	vsel vm0, v25, v13;
	v14 =	vsel vm0, v20, v14  }
0xff: {  	s0 =	sadd.s32 $0x1, s0;
	s29 =	smov.u32 s26;
	v15 =	vsel vm0, v19, v15;
	v16 =	vsel vm0, v21, v16;
	v17 =	vsel vm0, v22, v17  }
.LBB2_8:
0x100: {  	vm0 =	veq.f32 v11, s1  }
0x101: {  	v19 =	vnsel vm0, $0x7149F2CA, v13  }
0x102: {  	(xrf0) =	vmin.scan.msk.f32 $0xffff, v19;
	_ =	sdelay $0x5  }
0x103: {  	v19, _, _ =	vpop (xrf0)  }
0x104: {  	(v2sf) =	vpush v19, $0xF;
	_ =	sdelay $0xe  }
0x105: {  	s2 =	spop (v2sf)  }
0x106: {  	s2 =	scvt.f32.s32 s2;
	_ =	sdelay $0x1  }
0x107: {  	s9 =	sand.u32 $0xFF, s2  }
0x108: {  	v19 =	vmov s9  }
0x109: {  	v20 =	vor.u32 $0x200, v19  }
0x10a: {  	v21 =	vor.u32 $0x300, v19  }
0x10b: {  	v22 =	vor.u32 $0x400, v19  }
0x10c: {  	v19 =	vor.u32 $0x500, v19;
	_ =	sdelay $0x1  }
0x10d: {  	v25 =	vld.idx.msk [tilespmem:v20+s19+$0x0], $0xffff  }
0x10e: {  	v26 =	vld.idx.msk [tilespmem:v21+s19+$0x0], $0xffff  }
0x10f: {  	v27 =	vld.idx.msk [tilespmem:v22+s19+$0x0], $0xffff  }
0x110: {  	v28 =	vld.idx.msk [tilespmem:v19+s19+$0x0], $0xffff;
	_ =	sdelay $0x3  }
0x111: {  	v29 =	vsub.f32 v16, v14;
	v30 =	vsub.f32 v17, v15  }
0x112: {  	v19 =	vsub.f32 v27, v25;
	v20 =	vsub.f32 v28, v26;
	v21 =	vmax.f32 v25, v14  }
0x113: {  	v22 =	vmax.f32 v26, v15;
	v23 =	vmin.f32 v27, v16;
	v24 =	vmin.f32 v28, v17  }
0x114: {  	s10 =	sadd.s32 $0x1, s9;
	v21 =	vsub.f32 v23, v21;
	v22 =	vsub.f32 v24, v22  }
0x115: {  	vm1 =	vcmask @!p0 $0x308;
	s26 =	sand.u32 $0xF, s10;
	v31 =	vmul.f32 v20, v19;
	v19 =	vmul.f32 v30, v29  }
0x116: {  	vm0 =	vmmov @!p0 $0x1;
	p1 =	seq.s32 s26, $0x0;
	v20 =	vmax.f32 v21, $0.0e+00;
	v21 =	vmax.f32 v22, $0.0e+00  }
0x117: {  	s10 =	smov.u32 @p1 s9;
	v23 =	vmov s0;
	v21 =	vmul.f32 v21, v20;
	v19 =	vadd.f32 v31, v19  }
0x118: {  	v29 =	vmov s10;
	v22 =	vsel @!p0 vm1, $0x0, v26;
	v20 =	vnsel @!p0 vm0, $0x0, v25  }
0x119: {  	vm0 =	vcmask @!p0 $0x70C;
	v20 =	vadd.f32 @!p0 v22, v20;
	v19 =	vsub.f32 v19, v21  }
0x11a: {  	v30 =	vand.u32 $0x7F, v29;
	v24 =	vor.u32 $0x200, v29;
	v22 =	vsel @!p0 vm0, $0x0, v27  }
0x11b: {  	vm0 =	vcmask @!p0 $0xB10;
	v20 =	vadd.f32 @!p0 v22, v20;
	v19 =	vmax.f32 v19, $9.999999710e-10  }
0x11c: {  	v22 =	vsel @!p0 vm0, $0x0, v28;
	vm0 =	vcmask @!p0 $0xF14;
	(erf) = vrcp.f32 v19  }
0x11d: {  	v19 =	vmov s1;
	v20 =	vadd.f32 @!p0 v22, v20;
	v22 =	vadd.s32 $0x300, v29  }
0x11e: {  	v32 =	vadd.s32 $0x500, v29;
	[tilespmem:v23+s20+$0x0] =	vst.idx.msk $0xffff, v25;
	v22 =	vand.u32 $0x780, v22;
	v19 =	vsel @!p0 vm0, $0x0, v19  }
0x11f: {  	[tilespmem:v23+s21+$0x0] =	vst.idx.msk $0xffff, v26;
	v22 =	vor.u32 v30, v22;
	v19 =	vadd.f32 @!p0 v20, v19;
	v20 =	vand.u32 $0x780, v32  }
0x120: {  	[tilespmem:v23+s22+$0x0] =	vst.idx.msk $0xffff, v27;
	s1 =	sshll.u32 @!p0 s29, $0x4;
	v32 =	vor.u32 v30, v20  }
0x121: {  	v33 =	vor.u32 $0x400, v29;
	[tilespmem:v23+s23+$0x0] =	vst.idx.msk $0xffff, v28;
	s1 =	sand.u32 @!p0 $0x3FFFFFF0, s1  }
0x122: {  	[tilespmem:s1+$0x2180] =	vst @!p0 v19  }
0x123: {  	v20 =	vld.idx.msk [tilespmem:v24+s19+$0x0], $0xffff  }
0x124: {  	v19 =	vld.idx.msk [tilespmem:v22+s19+$0x0], $0xffff  }
0x125: {  	v22 =	vld.idx.msk [tilespmem:v32+s19+$0x0], $0xffff;
	v24 =	vpop (erf)  }
0x126: {  	s9 =	sshrl.u32 s2, $0x4;
	v24 =	vmul.f32 v24, v21;
	v21 =	vld.idx.msk [tilespmem:v33+s19+$0x0], $0xffff  }
0x127: {  	vm1 =	vgt.f32 v11, $-1.000000020e+30;
	s1 =	sand.u32 $0xF, s9  }
0x128: {  	v25 =	vmax.f32 v20, v25;
	vm0 =	vgt.f32 v24, $8.000000110e-01;
	v24 =	vmov s1  }
0x129: {  	v26 =	vmax.f32 v19, v26;
	vm0 =	vmand vm1, vm0;
	vm1 =	vne.s32 v24, v0  }
0x12a: {  	v34 =	vsub.f32 v22, v19;
	v28 =	vmin.f32 v22, v28;
	vm0 =	vmand vm1, vm0  }
0x12b: {  	v63 =	vsel vm0, $0x3F800000, v10;
	v33 =	vsub.f32 v21, v20;
	v27 =	vmin.f32 v21, v27  }
0x12c: {  	v26 =	vsub.f32 v28, v26;
	(xrf0) =	vmax.scan.msk.f32 $0xffff, v63;
	v25 =	vsub.f32 v27, v25  }
0x12d: {  	v28 =	vmul.f32 v34, v33  }
0x12e: {  	v26 =	vmax.f32 v26, $0.0e+00;
	v25 =	vmax.f32 v25, $0.0e+00  }
0x12f: {  	v25 =	vmul.f32 v26, v25;
	v26 =	vadd.f32 v28, v31;
	_ =	sdelay $0x1  }
0x130: {  	v26 =	vsub.f32 v26, v25  }
0x131: {  	v27, _, _ =	vpop (xrf0)  }
0x132: {  	(v2sf) =	vpush v27, $0xF;
	v26 =	vmax.f32 v26, $9.999999710e-10  }
0x133: {  	(erf) = vrcp.f32 v26;
	_ =	sdelay $0x1  }
0x134: {  	s10 =	sadd.s32 $0xF, s0  }
0x135: {  	s26 =	sand.u32 $0xF, s10  }
0x136: {  	s30 =	sshra.s32 s10, $0x1F;
	p2 =	slt.s32 s10, $0x1;
	p3 =	sne.s32 s26, $0x0  }
0x137: {  	s31 =	sshrl.u32 s30, $0x1C;
	p2 =	por !p2, !p3;
	v26 =	vadd.s32 $0x100, v29  }
0x138: {  	s2 =	simm.s32 $0x1;
	p2 =	por !p2, !p2;
	s1 =	sadd.s32 s31, s10;
	v26 =	vand.u32 $0x380, v26  }
0x139: {  	s2 =	simm.s32 @!p2 $0x0;
	s1 =	sshra.s32 s1, $0x4  }
0x13a: {  	s2 =	ssub.s32 s1, s2  }
0x13b: {  	p2 =	slt.s32 s2, $0x1;
	v27 =	vor.u32 v30, v26;
	v26 =	vpop (erf)  }
.Ltmp6:
0x13c: {  	v25 =	vmul.f32 v26, v25;
	v26 =	vld.idx.msk [tilespmem:v29+s19+$0x0], $0xffff;
	(pc) =	sbr.rel @p2 .LBB2_20-.Ltmp6, $3  }
0x13d: {  	_ =	sdelay $0x1  }
0x13e: {  	vm0 =	vgt.f32 v25, $8.000000110e-01  }
0x13f: {  	v25 =	vld.idx.msk [tilespmem:v27+s19+$0x0], $0xffff;
	v27 =	vsel vm0, $0x3F800000, v10;
	s1 =	spop (v2sf)  }
0x140: {  	s9 =	simm.s32 $0x1F80  }
0x141: {  	s10 =	simm.s32 $0x2000;
	p5 =	sne.s32 s2, $0x1;
	v29 =	vld [tilespmem:s9+$0x0]  }
.Ltmp7:
0x142: {  	s30 =	simm.s32 $0x2080;
	v33 =	vld [tilespmem:s10+$0x0];
	(pc) =	sbr.rel @!p5 .LBB2_10-.Ltmp7, $4  }
0x143: {  	s31 =	simm.s32 $0x2100;
	v30 =	vld [tilespmem:s30+$0x0]  }
0x144: {  	v31 =	vld [tilespmem:s31+$0x0]  }
0x145: {  	s2 =	sadd.s32 $0xFFFFFFFF, s2  }
0x146: {  	p2 =	por $0x0, $0x0;
	p3 =	por $0x0, $0x0;
	p4 =	por $0x0, $0x0  }
0x147: {  	s9 =	simm.s32 $0x1F90  }
0x148: {  	s30 =	simm.s32 $0x2090;
	p5 =	sne.s32 s2, $0x1;
	v32 =	vld [tilespmem:s9+$0x0]  }
.Ltmp8:
0x149: {  	v34 =	vmax.f32 v20, v29;
	s26 =	simm.s32 $0x2010;
	v36 =	vmin.f32 v21, v30;
	v29 =	vsub.f32 v30, v29;
	v30 =	vld [tilespmem:s30+$0x0];
	(pc) =	sbr.rel @!p5 .LBB2_12-.Ltmp8, $3  }
0x14a: {  	v35 =	vmax.f32 v19, v33;
	s31 =	simm.s32 $0x2110;
	v37 =	vmin.f32 v22, v31;
	v38 =	vsub.f32 v31, v33;
	v33 =	vld [tilespmem:s26+$0x0]  }
0x14b: {  	v34 =	vsub.f32 v36, v34;
	v31 =	vld [tilespmem:s31+$0x0];
	v35 =	vsub.f32 v37, v35;
	_ =	sdelay $0x1  }
0x14c: {  	s2 =	sadd.s32 $0xFFFFFFFF, s2;
	p2 =	por $0x1, $0x1;
	v37 =	vmul.f32 v38, v29;
	v38 =	vmax.f32 v34, $0.0e+00;
	v40 =	vmax.f32 v35, $0.0e+00  }
0x14d: {  	_ = 	snop  }
0x14e: {  	v29 =	vmul.f32 v40, v38;
	v34 =	vadd.f32 v37, v28;
	_ =	sdelay $0x1  }
0x14f: {  	v36 =	vmax.f32 v20, v32;
	s30 =	simm.s32 $0x20A0;
	p5 =	sne.s32 s2, $0x1;
	v34 =	vsub.f32 v34, v29  }
.Ltmp9:
0x150: {  	v59 =	vmin.f32 v21, v30;
	v60 =	vsub.f32 v30, v32;
	s26 =	simm.s32 $0x2020;
	v58 =	vmax.f32 v19, v33;
	v30 =	vld [tilespmem:s30+$0x0];
	(pc) =	sbr.rel @!p5 .LBB2_14-.Ltmp9, $4  }
0x151: {  	s31 =	simm.s32 $0x2120;
	v39 =	vmin.f32 v22, v31;
	v61 =	vsub.f32 v31, v33;
	v33 =	vld [tilespmem:s26+$0x0];
	v31 =	vmax.f32 v34, $9.999999710e-10  }
0x152: {  	v62 =	vsub.f32 v59, v36;
	v63 =	vsub.f32 v39, v58;
	(erf) = vrcp.f32 v31;
	v31 =	vld [tilespmem:s31+$0x0]  }
0x153: {  	s9 =	simm.s32 $0x1FA0  }
0x154: {  	s2 =	sadd.s32 $0xFFFFFFFF, s2;
	p3 =	por $0x1, $0x1;
	v35 =	vld [tilespmem:s9+$0x0];
	v38 =	vmax.f32 v62, $0.0e+00;
	v37 =	vmul.f32 v61, v60;
	v40 =	vmax.f32 v63, $0.0e+00  }
0x155: {  	_ = 	snop  }
0x156: {  	v34 =	vmul.f32 v40, v38;
	v32 =	vadd.f32 v37, v28  }
0x157: {  	s30 =	simm.s32 $0x2030;
	v59 =	vmax.f32 v19, v33  }
0x158: {  	s26 =	simm.s32 $0x1FB0;
	p5 =	sne.s32 s2, $0x1;
	v61 =	vmin.f32 v22, v31;
	v31 =	vsub.f32 v31, v33;
	v33 =	vld [tilespmem:s30+$0x0];
	v39 =	vsub.f32 v32, v34  }
.Ltmp10:
0x159: {  	v60 =	vmin.f32 v21, v30;
	s31 =	simm.s32 $0x20B0;
	v32 =	vld [tilespmem:s26+$0x0];
	v62 =	vsub.f32 v30, v35;
	(pc) =	sbr.rel @!p5 .LBB2_16-.Ltmp10, $4  }
0x15a: {  	s9 =	simm.s32 $0x2130;
	v40 =	vsub.f32 v61, v59;
	v36 =	vmax.f32 v20, v35;
	v30 =	vld [tilespmem:s31+$0x0];
	v39 =	vmax.f32 v39, $9.999999710e-10  }
0x15b: {  	v38 =	vsub.f32 v60, v36;
	(erf) = vrcp.f32 v39;
	v37 =	vmul.f32 v31, v62;
	v31 =	vld [tilespmem:s9+$0x0]  }
0x15c: {  	v36 =	vor.u32 s24, v0;
	v63 =	vpop (erf)  }
0x15d: {  	s10 =	sadd.s32 $0xFFFFFFFF, s2;
	p4 =	por $0x1, $0x1;
	s2 =	simm.s32 $0x0;
	v35 =	vmovc v27;
	v40 =	vmax.f32 v40, $0.0e+00;
	v38 =	vmax.f32 v38, $0.0e+00;
	v39 =	vmul.f32 v63, v29  }
.LBB2_17:
0x15e: {  	p5 =	sne.s32 s10, $0x1;
	v41 =	vmul.f32 v40, v38;
	v37 =	vadd.f32 v37, v28;
	vm0 =	vlt.s32 v36, v23  }
0x15f: {  	v36 =	vmax.f32 v20, v32;
	v38 =	vmax.f32 v19, v33;
	vm1 =	vgt.f32 v39, $8.000000110e-01  }
0x160: {  	s26 =	sadd.s32 $0x10, s26;
	v39 =	vmin.f32 v21, v30;
	v37 =	vsub.f32 v37, v41;
	vm0 =	vmand vm0, vm1  }
.Ltmp11:
0x161: {  	s30 =	sadd.s32 $0x10, s30;
	v2 =	vsub.f32 v30, v32;
	v40 =	vmin.f32 v22, v31;
	v32 =	vld [tilespmem:s26+$0x0];
	v30 =	vsel vm0, $0x3F800000, v10;
	(pc) =	sbr.rel @p5 .LBB2_17-.Ltmp11, $4  }
0x162: {  	s31 =	sadd.s32 $0x10, s31;
	v43 =	vsub.f32 v31, v33;
	v33 =	vld [tilespmem:s30+$0x0];
	v31 =	vmax.f32 v37, $9.999999710e-10;
	v35 =	vmax.f32 v35, v30  }
0x163: {  	s9 =	sadd.s32 $0x10, s9;
	s2 =	sadd.s32 $0x10, s2;
	v39 =	vsub.f32 v39, v36;
	v40 =	vsub.f32 v40, v38;
	v30 =	vld [tilespmem:s31+$0x0];
	(erf) = vrcp.f32 v31  }
0x164: {  	v36 =	vor.u32 s2, v0;
	v37 =	vmul.f32 v43, v2;
	v31 =	vld [tilespmem:s9+$0x0];
	v42 =	vpop (erf)  }
0x165: {  	s10 =	sadd.s32 $0xFFFFFFFF, s10;
	v38 =	vmax.f32 v39, $0.0e+00;
	v40 =	vmax.f32 v40, $0.0e+00;
	v39 =	vmul.f32 v42, v34;
	v34 =	vmovc v41  }
.Ltmp12:
0x166: {  	(pc) =	sbr.rel .LBB2_19-.Ltmp12, $1  }
0x167: {  	_ =	sdelay $0x3  }
.LBB2_12:
.Ltmp13:
0x168: {  	(pc) =	sbr.rel .LBB2_19-.Ltmp13, $2  }
0x169: {  	_ =	sdelay $0x2  }
0x16a: {  	v35 =	vmov v27;
	s2 =	simm.s32 $0x0  }
.LBB2_14:
.Ltmp14:
0x16b: {  	_ = 	snop;
	(pc) =	sbr.rel .LBB2_19-.Ltmp14, $2  }
0x16c: {  	_ =	sdelay $0x2  }
0x16d: {  	s2 =	simm.s32 $0x0;
	v34 =	vmov v29;
	v32 =	vmov v35;
	v35 =	vmov v27  }
.LBB2_16:
.Ltmp15:
0x16e: {  	(pc) =	sbr.rel .LBB2_19-.Ltmp15, $2  }
0x16f: {  	_ =	sdelay $0x2  }
0x170: {  	v35 =	vmov v27;
	s2 =	simm.s32 $0x0  }
.LBB2_21:
0x171: {  	s1 =	smov.u32 s0;
	s2 =	smov.u32 s26  }
0x172: {  	s9 =	smov.u32 s0;
	s10 =	smov.u32 s26;
	s1 =	smov.u32 @p1 s0  }
0x173: {  	s2 =	smov.u32 @p1 s26;
	s9 =	smov.u32 @p2 s1;
	s1 =	smov.u32 s0  }
0x174: {  	s10 =	smov.u32 @p2 s2;
	s2 =	smov.u32 s26;
	s1 =	smov.u32 @p3 s9  }
0x175: {  	s2 =	smov.u32 @p3 s10;
	s0 =	smov.u32 @p4 s1  }
0x176: {  	s26 =	smov.u32 @p4 s2;
	s24 =	smov.u32 s0  }
.LBB2_22:
0x177: {  	p1 =	sgt.f32 @!p0 s28, $-1.000000020e+30;
	_ =	sdelay $0x1  }
0x178: {  	p1 =	por p0, p1  }
.Ltmp16:
0x179: {  	_ = 	snop;
	(pc) =	sbr.rel @p1 .LBB2_25-.Ltmp16, $1  }
0x17a: {  	_ =	sdelay $0x3  }
0x17b: {  	s1 =	ssub.s32 $0x64, s25  }
0x17c: {  	p1 =	sne.s32 s1, $0x1  }
.Ltmp17:
0x17d: {  	_ = 	snop;
	(pc) =	sbr.rel @!p1 .LBB2_25-.Ltmp17, $4  }
0x17e: {  	s0 =	sshll.u32 s25, $0x6  }
0x17f: {  	s0 =	sshra.s32 s0, $0x2  }
0x180: {  	s0 =	sadd.s32 $0x2180, s0  }
0x181: {  	s1 =	sadd.s32 $0xFFFFFFFF, s1;
	[tilespmem:s0+$0x0] =	vst v10  }
.LBB2_24:
0x182: {  	p1 =	sne.s32 s1, $0x1  }
.Ltmp18:
0x183: {  	_ = 	snop;
	(pc) =	sbr.rel @p1 .LBB2_24-.Ltmp18, $3  }
0x184: {  	_ =	sdelay $0x1  }
0x185: {  	s1 =	sadd.s32 $0xFFFFFFFF, s1;
	s0 =	sadd.s32 $0x10, s0  }
0x186: {  	[tilespmem:s0+$0x0] =	vst v10  }
.LBB2_25:
0x187: {  	p1 =	sgt.s32 s26, $0x63  }
.Ltmp19:
0x188: {  	_ = 	snop;
	(pc) =	sbr.rel @p1 .LBB2_31-.Ltmp19, $1  }
0x189: {  	_ =	sdelay $0x3  }
0x18a: {  	p1 =	slt.s32 s24, $0x1  }
.Ltmp20:
0x18b: {  	_ = 	snop;
	(pc) =	sbr.rel @p1 .LBB2_3-.Ltmp20, $3  }
0x18c: {  	_ =	sdelay $0x1  }
0x18d: {  	_ =	sdelay $0x7ff  }
0x18e: {  	s28 =	simm.s32 $0x0;
	s25 =	smov.u32 s26;
	_ =	sdelay $0x36b  }
.LBB2_27:
0x18f: {  	s25 =	simm.s32 $0x40  }
0x190: {  	s2 =	simm.s32 $0x540;
	v16 =	vld [tilespmem:s25+$0x30]  }
0x191: {  	s1 =	simm.s32 $0xA40;
	v17 =	vld [tilespmem:s2+$0x30]  }
0x192: {  	s0 =	simm.s32 $0xF40;
	v18 =	vld [tilespmem:s1+$0x30]  }
0x193: {  	v14 =	vmov s28;
	v19 =	vld [tilespmem:s0+$0x30]  }
0x194: {  	v23 =	vld [tilespmem:s1+$0xFFFFFFC0]  }
0x195: {  	v33 =	vld [tilespmem:s2+$0xFFFFFFF0]  }
0x196: {  	v57 =	vld [tilespmem:s25+$0x0]  }
0x197: {  	v58 =	vld [tilespmem:s25+$0x10]  }
0x198: {  	v11 =	vld.idx.msk [tilespmem:v14+s20+$0x0], $0xffff  }
0x199: {  	v12 =	vld.idx.msk [tilespmem:v14+s21+$0x0], $0xffff  }
0x19a: {  	v13 =	vld.idx.msk [tilespmem:v14+s22+$0x0], $0xffff  }
0x19b: {  	v14 =	vld.idx.msk [tilespmem:v14+s23+$0x0], $0xffff  }
0x19c: {  	v59 =	vld [tilespmem:s2+$0x10]  }
0x19d: {  	v61 =	vld [tilespmem:s0+$0x10]  }
0x19e: {  	v62 =	vld [tilespmem:s25+$0x20]  }
0x19f: {  	v45 =	vld [tilespmem:s2+$0x20]  }
0x1a0: {  	v42 =	vld [tilespmem:s0+$0x20];
	v15 =	vsub.f32 v13, v11;
	v21 =	vsub.f32 v14, v12  }
0x1a1: {  	v20 =	vld [tilespmem:s25+$0xFFFFFFC0];
	v24 =	vmax.f32 v11, v16;
	v25 =	vmin.f32 v13, v18;
	v16 =	vsub.f32 v18, v16  }
0x1a2: {  	v22 =	vld [tilespmem:s2+$0xFFFFFFC0];
	v18 =	vsub.f32 v19, v17;
	v17 =	vmax.f32 v12, v17;
	v19 =	vmin.f32 v14, v19  }
0x1a3: {  	v26 =	vld [tilespmem:s25+$0xFFFFFFD0];
	v28 =	vmin.f32 v13, v23;
	v34 =	vmax.f32 v12, v33;
	v60 =	vmax.f32 v11, v57  }
0x1a4: {  	v27 =	vld [tilespmem:s2+$0xFFFFFFD0];
	v63 =	vmax.f32 v11, v58;
	v40 =	vmax.f32 v12, v59;
	v46 =	vmin.f32 v14, v61  }
0x1a5: {  	v29 =	vld [tilespmem:s0+$0xFFFFFFD0];
	v48 =	vmax.f32 v11, v62;
	v49 =	vmax.f32 v12, v45;
	v51 =	vmin.f32 v14, v42  }
0x1a6: {  	v24 =	vsub.f32 v25, v24;
	v17 =	vsub.f32 v19, v17;
	v15 =	vmul.f32 v21, v15;
	v21 =	vld [tilespmem:s0+$0xFFFFFFC0]  }
0x1a7: {  	v25 =	vmax.f32 v11, v20;
	v19 =	vld [tilespmem:s1+$0xFFFFFFD0];
	v20 =	vsub.f32 v23, v20;
	v16 =	vmul.f32 v18, v16  }
0x1a8: {  	v23 =	vmax.f32 v11, v26;
	v24 =	vmax.f32 v24, $0.0e+00;
	v17 =	vmax.f32 v17, $0.0e+00  }
0x1a9: {  	v31 =	vld [tilespmem:s25+$0xFFFFFFE0];
	v16 =	vadd.f32 v16, v15;
	v17 =	vmul.f32 v17, v24;
	v24 =	vsub.f32 v28, v25  }
0x1aa: {  	v18 =	vmax.f32 v12, v22;
	v25 =	vmax.f32 v12, v27;
	v28 =	vld [tilespmem:s1+$0xFFFFFFE0];
	v27 =	vsub.f32 v29, v27  }
0x1ab: {  	v32 =	vld [tilespmem:s0+$0xFFFFFFE0];
	v16 =	vsub.f32 v16, v17;
	v24 =	vmax.f32 v24, $0.0e+00;
	v30 =	vmin.f32 v14, v21  }
0x1ac: {  	v21 =	vsub.f32 v21, v22;
	v18 =	vsub.f32 v30, v18;
	v30 =	vmin.f32 v13, v19  }
0x1ad: {  	v36 =	vld [tilespmem:s0+$0x0];
	v19 =	vsub.f32 v19, v26;
	v26 =	vmin.f32 v14, v29;
	v16 =	vmax.f32 v16, $9.999999710e-10  }
0x1ae: {  	s31 =	simm.s32 $0xFC0;
	v22 =	vld [tilespmem:s2+$0xFFFFFFE0];
	v23 =	vsub.f32 v30, v23;
	v30 =	vmax.f32 v11, v31;
	(erf) = vrcp.f32 v16  }
0x1af: {  	v56 =	vld [tilespmem:s31+$0xFFFFFFE0];
	v16 =	vmul.f32 v21, v20;
	v20 =	vsub.f32 v26, v25;
	v26 =	vmin.f32 v13, v28  }
0x1b0: {  	v29 =	vld [tilespmem:s25+$0xFFFFFFF0];
	v28 =	vsub.f32 v28, v31;
	v31 =	vmin.f32 v14, v32;
	v19 =	vmul.f32 v27, v19  }
0x1b1: {  	v21 =	vld [tilespmem:s1+$0xFFFFFFF0];
	v26 =	vsub.f32 v26, v30;
	v18 =	vmax.f32 v18, $0.0e+00;
	v23 =	vmax.f32 v23, $0.0e+00  }
0x1b2: {  	v27 =	vld [tilespmem:s0+$0xFFFFFFF0];
	v20 =	vmax.f32 v20, $0.0e+00;
	v18 =	vmul.f32 v18, v24;
	v24 =	vadd.f32 v16, v15  }
0x1b3: {  	v30 =	vld [tilespmem:s2+$0x0];
	v16 =	vsub.f32 v51, v49;
	v25 =	vmax.f32 v12, v22;
	v22 =	vsub.f32 v32, v22  }
0x1b4: {  	v26 =	vmax.f32 v26, $0.0e+00;
	v32 =	vsub.f32 v61, v59;
	v19 =	vadd.f32 v19, v15  }
0x1b5: {  	v61 =	vmin.f32 v14, v56;
	v25 =	vsub.f32 v31, v25;
	v22 =	vmul.f32 v22, v28;
	v28 =	vld [tilespmem:s1+$0x0]  }
0x1b6: {  	v31 =	vmax.f32 v11, v29;
	v24 =	vsub.f32 v24, v18;
	v35 =	vmin.f32 v13, v21  }
0x1b7: {  	v21 =	vsub.f32 v21, v29;
	v29 =	vmin.f32 v14, v27;
	v27 =	vsub.f32 v27, v33  }
0x1b8: {  	v31 =	vsub.f32 v35, v31;
	v37 =	vmax.f32 v12, v30;
	v30 =	vsub.f32 v36, v30  }
0x1b9: {  	v25 =	vmax.f32 v25, $0.0e+00;
	v33 =	vsub.f32 v46, v40;
	v24 =	vmax.f32 v24, $9.999999710e-10  }
0x1ba: {  	v29 =	vsub.f32 v29, v34;
	v39 =	vmin.f32 v13, v28;
	v28 =	vsub.f32 v28, v57  }
0x1bb: {  	v34 =	vmul.f32 v20, v23;
	v22 =	vadd.f32 v22, v15;
	v21 =	vmul.f32 v27, v21;
	v27 =	vld [tilespmem:s1+$0x10]  }
0x1bc: {  	(erf) = vrcp.f32 v24;
	v28 =	vmul.f32 v30, v28;
	v30 =	vmax.f32 v31, $0.0e+00;
	v31 =	vld [tilespmem:s1+$0x20]  }
0x1bd: {  	v33 =	vmax.f32 v33, $0.0e+00;
	v38 =	vpop (erf);
	v29 =	vmax.f32 v29, $0.0e+00;
	v19 =	vsub.f32 v19, v34  }
0x1be: {  	v38 =	vmul.f32 v38, v17;
	v17 =	vmin.f32 v14, v36;
	v21 =	vadd.f32 v21, v15  }
0x1bf: {  	v35 =	vsub.f32 v39, v60;
	v17 =	vsub.f32 v17, v37;
	v19 =	vmax.f32 v19, $9.999999710e-10  }
0x1c0: {  	v39 =	vsub.f32 v42, v45;
	(erf) = vrcp.f32 v19;
	vm0 =	vgt.f32 v38, $8.000000110e-01  }
0x1c1: {  	s30 =	simm.s32 $0xAC0;
	v41 =	vmin.f32 v13, v27;
	v27 =	vsub.f32 v27, v58;
	v50 =	vmin.f32 v13, v31  }
0x1c2: {  	s29 =	simm.s32 $0x5C0;
	v54 =	vld [tilespmem:s30+$0xFFFFFFD0];
	v47 =	vmax.f32 v35, $0.0e+00;
	v17 =	vmax.f32 v17, $0.0e+00;
	v35 =	vsub.f32 v50, v48  }
0x1c3: {  	s10 =	simm.s32 $0xC0;
	v59 =	vld [tilespmem:s29+$0xFFFFFFF0];
	v37 =	vsub.f32 v41, v63;
	v27 =	vmul.f32 v32, v27;
	v31 =	vsub.f32 v31, v62  }
0x1c4: {  	v24 =	vld [tilespmem:s10+$0x30];
	v32 =	vmul.f32 v29, v30;
	v20 =	vmax.f32 v35, $0.0e+00;
	v35 =	vmul.f32 v25, v26  }
0x1c5: {  	v60 =	vld [tilespmem:s31+$0xFFFFFFF0];
	v37 =	vmax.f32 v37, $0.0e+00;
	v23 =	vmul.f32 v39, v31;
	v31 =	vmul.f32 v17, v47  }
0x1c6: {  	s25 =	simm.s32 $0x1440;
	v19 =	vld [tilespmem:s29+$0x30];
	v25 =	vmax.f32 v16, $0.0e+00;
	v26 =	vadd.f32 v28, v15;
	v22 =	vsub.f32 v22, v35  }
0x1c7: {  	v27 =	vadd.f32 v27, v15;
	v21 =	vsub.f32 v21, v32;
	v17 =	vmul.f32 v25, v20;
	v20 =	vld [tilespmem:s25+$0x30]  }
0x1c8: {  	v30 =	vld [tilespmem:s10+$0xFFFFFFD0];
	v16 =	vmul.f32 v33, v37;
	v25 =	vsub.f32 v26, v31;
	v22 =	vmax.f32 v22, $9.999999710e-10  }
0x1c9: {  	v21 =	vmax.f32 v21, $9.999999710e-10;
	v23 =	vadd.f32 v23, v15;
	(erf) = vrcp.f32 v22;
	v22 =	vld [tilespmem:s30+$0x30]  }
0x1ca: {  	v26 =	vsub.f32 v27, v16;
	v25 =	vmax.f32 v25, $9.999999710e-10;
	(erf) = vrcp.f32 v21;
	v21 =	vld [tilespmem:s31+$0x30]  }
0x1cb: {  	v47 =	vmin.f32 v14, v60;
	v23 =	vsub.f32 v23, v17;
	(erf) = vrcp.f32 v25;
	v25 =	vld [tilespmem:s10+$0xFFFFFFC0]  }
0x1cc: {  	v28 =	vmax.f32 v12, v19;
	v26 =	vmax.f32 v26, $9.999999710e-10;
	v39 =	vsel vm0, $0xF149F2CA, v20;
	v20 =	vld [tilespmem:s30+$0xFFFFFFC0]  }
0x1cd: {  	v37 =	vsub.f32 v60, v59;
	v23 =	vmax.f32 v23, $9.999999710e-10;
	(erf) = vrcp.f32 v26;
	v26 =	vld [tilespmem:s29+$0xFFFFFFC0]  }
0x1ce: {  	v53 =	vld [tilespmem:s29+$0xFFFFFFD0];
	v27 =	vmax.f32 v11, v24;
	(erf) = vrcp.f32 v23;
	v29 =	vmin.f32 v13, v22  }
0x1cf: {  	v23 =	vld [tilespmem:s31+$0xFFFFFFC0];
	v22 =	vsub.f32 v22, v24;
	v52 =	vmin.f32 v14, v21;
	v19 =	vsub.f32 v21, v19  }
0x1d0: {  	v21 =	vpop (erf);
	v27 =	vsub.f32 v29, v27;
	v24 =	vmax.f32 v11, v25;
	v28 =	vsub.f32 v52, v28  }
0x1d1: {  	v41 =	vmul.f32 v21, v18;
	v18 =	vmin.f32 v13, v20;
	v20 =	vsub.f32 v20, v25  }
0x1d2: {  	v55 =	vld [tilespmem:s10+$0xFFFFFFE0];
	v25 =	vmax.f32 v11, v30;
	v30 =	vsub.f32 v54, v30;
	v29 =	vmax.f32 v12, v26  }
0x1d3: {  	v21 =	vld [tilespmem:s31+$0xFFFFFFD0];
	v19 =	vmul.f32 v19, v22;
	v22 =	vmax.f32 v27, $0.0e+00;
	v18 =	vsub.f32 v18, v24  }
0x1d4: {  	v24 =	vmax.f32 v12, v53;
	v27 =	vmax.f32 v28, $0.0e+00;
	v28 =	vmin.f32 v14, v23  }
0x1d5: {  	v23 =	vsub.f32 v23, v26;
	v22 =	vmul.f32 v27, v22;
	v19 =	vadd.f32 v19, v15  }
0x1d6: {  	v38 =	vpop (erf);
	v26 =	vld [tilespmem:s29+$0xFFFFFFE0];
	vm1 =	vgt.f32 v41, $8.000000110e-01;
	v28 =	vsub.f32 v28, v29;
	v29 =	vmin.f32 v13, v54  }
0x1d7: {  	v44 =	vpop (erf);
	v27 =	vld [tilespmem:s30+$0xFFFFFFE0];
	v18 =	vmax.f32 v18, $0.0e+00;
	v25 =	vsub.f32 v29, v25;
	v19 =	vsub.f32 v19, v22  }
0x1d8: {  	v62 =	vld [tilespmem:s10+$0x0];
	v52 =	vpop (erf);
	v29 =	vmax.f32 v11, v55;
	v57 =	vmin.f32 v14, v21;
	v21 =	vsub.f32 v21, v53  }
0x1d9: {  	v58 =	vld [tilespmem:s10+$0xFFFFFFF0];
	v32 =	vmul.f32 v52, v32;
	v28 =	vmax.f32 v28, $0.0e+00;
	v19 =	vmax.f32 v19, $9.999999710e-10  }
0x1da: {  	v63 =	vld [tilespmem:s29+$0x0];
	v46 =	vmax.f32 v25, $0.0e+00;
	v21 =	vmul.f32 v21, v30;
	(erf) = vrcp.f32 v19  }
0x1db: {  	v19 =	vmul.f32 v23, v20;
	v20 =	vsub.f32 v57, v24;
	v23 =	vmax.f32 v12, v26;
	v24 =	vld [tilespmem:s30+$0xFFFFFFF0]  }
0x1dc: {  	v30 =	vmin.f32 v13, v27;
	v27 =	vsub.f32 v27, v55;
	v26 =	vsub.f32 v56, v26;
	v56 =	vld [tilespmem:s31+$0x0]  }
0x1dd: {  	v40 =	vld [tilespmem:s10+$0x10];
	v57 =	vmax.f32 v11, v62;
	v43 =	vsub.f32 v30, v29;
	v23 =	vsub.f32 v61, v23  }
0x1de: {  	v30 =	vmax.f32 v11, v58;
	v45 =	vmul.f32 v26, v27;
	v26 =	vmax.f32 v12, v59;
	v27 =	vld [tilespmem:s30+$0x0]  }
0x1df: {  	v20 =	vmax.f32 v20, $0.0e+00;
	v59 =	vld [tilespmem:s30+$0x10];
	v26 =	vsub.f32 v47, v26;
	v43 =	vmax.f32 v43, $0.0e+00  }
0x1e0: {  	s0 =	simm.s32 $0x14C0;
	v49 =	vld [tilespmem:s29+$0x10];
	v23 =	vmax.f32 v23, $0.0e+00;
	v25 =	vmin.f32 v13, v24;
	v24 =	vsub.f32 v24, v58  }
0x1e1: {  	v48 =	vld [tilespmem:s0+$0x30];
	v53 =	vpop (erf);
	v58 =	vmax.f32 v12, v63;
	v61 =	vmin.f32 v14, v56;
	v36 =	vsub.f32 v56, v63  }
0x1e2: {  	v60 =	vld [tilespmem:s10+$0x20];
	v29 =	vpop (erf);
	v63 =	vmax.f32 v11, v40;
	v55 =	vmax.f32 v26, $0.0e+00;
	v25 =	vsub.f32 v25, v30  }
0x1e3: {  	v30 =	vpop (erf);
	v24 =	vmul.f32 v37, v24;
	v51 =	vmin.f32 v13, v27;
	v27 =	vsub.f32 v27, v62;
	v62 =	vld [tilespmem:s31+$0x10]  }
0x1e4: {  	v37 =	vsub.f32 v61, v58;
	v26 =	vmin.f32 v13, v59;
	v33 =	vsub.f32 v59, v40;
	v61 =	vld [tilespmem:s31+$0x20];
	v50 =	vpop (erf)  }
0x1e5: {  	v47 =	vsub.f32 v51, v57;
	v26 =	vsub.f32 v26, v63;
	v22 =	vmul.f32 v50, v22  }
0x1e6: {  	v40 =	vadd.f32 v19, v15;
	v36 =	vmul.f32 v36, v27;
	v37 =	vmax.f32 v37, $0.0e+00  }
0x1e7: {  	v27 =	vld [tilespmem:s29+$0x20];
	v47 =	vmax.f32 v47, $0.0e+00;
	v50 =	vmax.f32 v26, $0.0e+00;
	vm0 =	vgt.f32 v22, $8.000000110e-01  }
0x1e8: {  	v22 =	vmax.f32 v12, v49;
	v56 =	vmin.f32 v14, v62;
	v42 =	vsub.f32 v62, v49  }
0x1e9: {  	v62 =	vmax.f32 v11, v60;
	v57 =	vmin.f32 v14, v61;
	v54 =	vsel vm0, $0xF149F2CA, v48  }
0x1ea: {  	v48 =	vmax.f32 v25, $0.0e+00;
	v25 =	vld [tilespmem:s30+$0x20];
	v42 =	vmul.f32 v42, v33;
	v33 =	vmul.f32 v28, v18  }
0x1eb: {  	v22 =	vsub.f32 v56, v22;
	v18 =	vmul.f32 v20, v46;
	v20 =	vmul.f32 v23, v43;
	v23 =	vld [tilespmem:s25+$0x10]  }
0x1ec: {  	v26 =	vmax.f32 v12, v27;
	v27 =	vsub.f32 v61, v27;
	v61 =	vadd.f32 v45, v15;
	v28 =	vld [tilespmem:s25+$0xFFFFFFC0]  }
0x1ed: {  	v56 =	vmax.f32 v22, $0.0e+00;
	v22 =	vld [tilespmem:s25+$0xFFFFFFD0];
	v19 =	vsub.f32 v57, v26;
	v42 =	vadd.f32 v42, v15  }
0x1ee: {  	v26 =	vld [tilespmem:s25+$0xFFFFFFF0];
	v45 =	vmul.f32 v56, v50;
	v40 =	vsub.f32 v40, v33;
	v59 =	vsub.f32 v61, v20  }
0x1ef: {  	v63 =	vmin.f32 v13, v25;
	v51 =	vsub.f32 v25, v60;
	v25 =	vld [tilespmem:s25+$0xFFFFFFE0];
	v60 =	vmax.f32 v19, $0.0e+00  }
0x1f0: {  	v19 =	vmul.f32 v37, v47;
	v47 =	vmul.f32 v38, v34;
	v34 =	vld [tilespmem:s0+$0xFFFFFFE0];
	v49 =	vsub.f32 v63, v62  }
0x1f1: {  	v31 =	vmul.f32 v53, v31;
	v37 =	vld [tilespmem:s0+$0xFFFFFFF0];
	v42 =	vsub.f32 v42, v45;
	v63 =	vadd.f32 v36, v15  }
0x1f2: {  	v38 =	vld [tilespmem:s0+$0x0];
	v62 =	vadd.f32 v24, v15;
	v46 =	vmax.f32 v49, $0.0e+00;
	v49 =	vmul.f32 v27, v51  }
0x1f3: {  	v24 =	vld [tilespmem:s25+$0x20];
	v51 =	vadd.f32 v21, v15;
	v21 =	vmul.f32 v55, v48;
	v61 =	vsub.f32 v63, v19  }
0x1f4: {  	v36 =	vld [tilespmem:s0+$0xFFFFFFD0];
	v43 =	vmul.f32 v60, v46;
	v46 =	vmul.f32 v44, v35;
	v49 =	vadd.f32 v49, v15  }
0x1f5: {  	v27 =	vld [tilespmem:s25+$0x0];
	v60 =	vmax.f32 v40, $9.999999710e-10;
	v58 =	vsub.f32 v51, v18;
	v48 =	vsub.f32 v62, v21  }
0x1f6: {  	v40 =	vld [tilespmem:s0+$0x10];
	v51 =	vmax.f32 v59, $9.999999710e-10;
	(erf) = vrcp.f32 v60;
	v63 =	vsub.f32 v49, v43  }
0x1f7: {  	[tilespmem:s25+$0x30] =	vst v39;
	v44 =	vld [tilespmem:s0+$0xFFFFFFC0];
	v62 =	vmax.f32 v58, $9.999999710e-10;
	v50 =	vmax.f32 v48, $9.999999710e-10;
	v49 =	vmax.f32 v61, $9.999999710e-10  }
0x1f8: {  	s2 =	simm.s32 $0x8;
	s1 =	simm.s32 $0x140;
	[tilespmem:s0+$0x30] =	vst v54;
	v48 =	vmax.f32 v42, $9.999999710e-10;
	v42 =	vld [tilespmem:s0+$0x20];
	(erf) = vrcp.f32 v62;
	v39 =	vmax.f32 v63, $9.999999710e-10  }
.LBB2_28:
0x1f9: {  	v35 =	vld [tilespmem:s1+$0x30];
	s29 =	sadd.s32 $0x80, s29;
	(erf) = vrcp.f32 v51;
	vm0 =	vgt.f32 v47, $8.000000110e-01;
	v29 =	vmul.f32 v29, v16;
	v16 =	vmovc v45  }
0x1fa: {  	s30 =	sadd.s32 $0x80, s30;
	vm2 =	vgt.f32 v46, $8.000000110e-01;
	v30 =	vmul.f32 v30, v17;
	v17 =	vmovc v43;
	v41 =	vld [tilespmem:s29+$0x30];
	(erf) = vrcp.f32 v50  }
0x1fb: {  	s31 =	sadd.s32 $0x80, s31;
	vm3 =	vgt.f32 v32, $8.000000110e-01;
	vm4 =	vgt.f32 v31, $8.000000110e-01;
	v43 =	vld [tilespmem:s30+$0x30];
	(erf) = vrcp.f32 v49  }
0x1fc: {  	s2 =	sadd.s32 $0x8, s2;
	vm5 =	vgt.f32 v29, $8.000000110e-01;
	vm6 =	vgt.f32 v30, $8.000000110e-01;
	v31 =	vld [tilespmem:s31+$0x30];
	(erf) = vrcp.f32 v48  }
0x1fd: {  	p1 =	slt.u32 s2, $0x48;
	v32 =	vsel vm0, $0xF149F2CA, v22;
	v22 =	vmovc v36;
	v29 =	vsel vm1, $0xF149F2CA, v28;
	v28 =	vmovc v44;
	v30 =	vld [tilespmem:s1+$0xFFFFFFC0];
	(erf) = vrcp.f32 v39  }
0x1fe: {  	v44 =	vsel vm3, $0xF149F2CA, v26;
	v45 =	vsel vm4, $0xF149F2CA, v27;
	v26 =	vmovc v37;
	v36 =	vld [tilespmem:s29+$0xFFFFFFC0];
	[tilespmem:s25+$0xFFFFFFC0] =	vst v29;
	v29 =	vsel vm2, $0xF149F2CA, v25;
	v25 =	vmovc v34  }
0x1ff: {  	v27 =	vmovc v38;
	v37 =	vsel vm5, $0xF149F2CA, v23;
	v46 =	vsel vm6, $0xF149F2CA, v24;
	v23 =	vmovc v40;
	v24 =	vmov v42;
	v34 =	vld [tilespmem:s30+$0xFFFFFFC0];
	[tilespmem:s25+$0xFFFFFFD0] =	vst v32  }
0x200: {  	v32 =	vmax.f32 v11, v35;
	v40 =	vmax.f32 v12, v41;
	v38 =	vld [tilespmem:s31+$0xFFFFFFC0];
	v42 =	vmin.f32 v13, v43;
	v47 =	vpop (erf);
	[tilespmem:s25+$0xFFFFFFE0] =	vst v29  }
0x201: {  	v2 =	vsub.f32 v43, v35;
	v48 =	vld [tilespmem:s1+$0xFFFFFFD0];
	v29 =	vmin.f32 v14, v31;
	v31 =	vsub.f32 v31, v41;
	v39 =	vpop (erf);
	[tilespmem:s25+$0xFFFFFFF0] =	vst v44  }
0x202: {  	v42 =	vsub.f32 v42, v32;
	v43 =	vmax.f32 v11, v30;
	v44 =	vld [tilespmem:s29+$0xFFFFFFD0];
	v3 =	vsub.f32 v29, v40;
	v41 =	vpop (erf);
	[tilespmem:s25+$0x0] =	vst v45  }
0x203: {  	v40 =	vmax.f32 v12, v36;
	v45 =	vld [tilespmem:s30+$0xFFFFFFD0];
	v49 =	vmul.f32 v31, v2;
	v31 =	vmul.f32 v47, v33;
	v32 =	vpop (erf);
	[tilespmem:s25+$0x10] =	vst v37  }
0x204: {  	v42 =	vmax.f32 v42, $0.0e+00;
	v33 =	vmin.f32 v13, v34;
	v37 =	vld [tilespmem:s31+$0xFFFFFFD0];
	v2 =	vmax.f32 v3, $0.0e+00;
	v35 =	vpop (erf);
	[tilespmem:s25+$0x20] =	vst v46;
	s25 =	smov.u32 s0  }
0x205: {  	v46 =	vmin.f32 v14, v38;
	v47 =	vld [tilespmem:s1+$0xFFFFFFE0];
	v42 =	vmul.f32 v2, v42;
	v49 =	vadd.f32 v49, v15;
	v29 =	vpop (erf)  }
0x206: {  	v34 =	vsub.f32 v34, v30;
	v36 =	vsub.f32 v38, v36;
	v38 =	vmax.f32 v11, v48;
	v50 =	vld [tilespmem:s29+$0xFFFFFFE0];
	v30 =	vpop (erf)  }
0x207: {  	v33 =	vsub.f32 v33, v43;
	v43 =	vmax.f32 v12, v44;
	v51 =	vld [tilespmem:s30+$0xFFFFFFE0];
	v49 =	vsub.f32 v49, v42  }
0x208: {  	v40 =	vsub.f32 v46, v40;
	v46 =	vmin.f32 v13, v45;
	v45 =	vsub.f32 v45, v48;
	v48 =	vld [tilespmem:s31+$0xFFFFFFE0]  }
0x209: {  	v52 =	vmin.f32 v14, v37;
	v37 =	vsub.f32 v37, v44;
	v44 =	vld [tilespmem:s1+$0xFFFFFFF0];
	v49 =	vmax.f32 v49, $9.999999710e-10  }
0x20a: {  	v38 =	vsub.f32 v46, v38;
	v46 =	vmax.f32 v11, v47;
	v53 =	vld [tilespmem:s29+$0xFFFFFFF0];
	(erf) = vrcp.f32 v49  }
0x20b: {  	v49 =	vmul.f32 v36, v34;
	v34 =	vsub.f32 v52, v43;
	v36 =	vmax.f32 v12, v50;
	v43 =	vld [tilespmem:s30+$0xFFFFFFF0]  }
0x20c: {  	v45 =	vmul.f32 v37, v45;
	v37 =	vmin.f32 v13, v51;
	v47 =	vsub.f32 v51, v47;
	v51 =	vld [tilespmem:s31+$0xFFFFFFF0]  }
0x20d: {  	v52 =	vmin.f32 v14, v48;
	v37 =	vsub.f32 v37, v46;
	v46 =	vsub.f32 v48, v50;
	v48 =	vld [tilespmem:s1+$0x0]  }
0x20e: {  	v33 =	vmax.f32 v33, $0.0e+00;
	v36 =	vsub.f32 v52, v36;
	v50 =	vmax.f32 v11, v44;
	v52 =	vld [tilespmem:s29+$0x0]  }
0x20f: {  	v54 =	vmax.f32 v40, $0.0e+00;
	v46 =	vmul.f32 v46, v47;
	v40 =	vmax.f32 v12, v53;
	v47 =	vld [tilespmem:s30+$0x0]  }
0x210: {  	v55 =	vmax.f32 v38, $0.0e+00;
	v38 =	vmin.f32 v13, v43;
	v43 =	vsub.f32 v43, v44;
	v44 =	vld [tilespmem:s31+$0x0]  }
0x211: {  	s0 =	sadd.s32 $0x80, s0;
	v56 =	vmin.f32 v14, v51;
	v38 =	vsub.f32 v38, v50;
	v50 =	vsub.f32 v51, v53;
	v51 =	vld [tilespmem:s1+$0x10]  }
0x212: {  	v53 =	vmax.f32 v34, $0.0e+00;
	v34 =	vsub.f32 v56, v40;
	v40 =	vmax.f32 v11, v48;
	v56 =	vld [tilespmem:s0+$0x30]  }
0x213: {  	v57 =	vmax.f32 v37, $0.0e+00;
	v43 =	vmul.f32 v50, v43;
	v37 =	vmax.f32 v12, v52;
	v50 =	vld [tilespmem:s29+$0x10];
	v58 =	vpop (erf)  }
0x214: {  	v59 =	vmin.f32 v13, v47;
	v47 =	vsub.f32 v47, v48;
	v48 =	vld [tilespmem:s30+$0x10];
	v42 =	vmul.f32 v58, v42  }
0x215: {  	v58 =	vmin.f32 v14, v44;
	v40 =	vsub.f32 v59, v40;
	v44 =	vsub.f32 v44, v52;
	v52 =	vld [tilespmem:s31+$0x10]  }
0x216: {  	v37 =	vsub.f32 v58, v37;
	v58 =	vmax.f32 v11, v51;
	v59 =	vld [tilespmem:s1+$0x20];
	vm0 =	vgt.f32 v42, $8.000000110e-01  }
0x217: {  	v60 =	vmax.f32 v36, $0.0e+00;
	v47 =	vmul.f32 v44, v47;
	v42 =	vld [tilespmem:s29+$0x20];
	v36 =	vsel vm0, $0xF149F2CA, v56  }
0x218: {  	v61 =	vmax.f32 v34, $0.0e+00;
	v56 =	vmax.f32 v38, $0.0e+00;
	v38 =	vmax.f32 v12, v50;
	v44 =	vld [tilespmem:s30+$0x20];
	[tilespmem:s0+$0x30] =	vst v36  }
0x219: {  	v62 =	vmax.f32 v40, $0.0e+00;
	v34 =	vmin.f32 v13, v48;
	v40 =	vsub.f32 v48, v51;
	v48 =	vld [tilespmem:s31+$0x20]  }
0x21a: {  	v36 =	vld [tilespmem:s0+$0xFFFFFFD0];
	v51 =	vmin.f32 v14, v52;
	v58 =	vsub.f32 v34, v58;
	v50 =	vsub.f32 v52, v50  }
0x21b: {  	v52 =	vmax.f32 v37, $0.0e+00;
	v34 =	vld [tilespmem:s0+$0xFFFFFFE0];
	v51 =	vsub.f32 v51, v38;
	v63 =	vmax.f32 v11, v59  }
0x21c: {  	v37 =	vld [tilespmem:s0+$0xFFFFFFF0];
	v58 =	vmax.f32 v58, $0.0e+00;
	v50 =	vmul.f32 v50, v40;
	v2 =	vmax.f32 v12, v42  }
0x21d: {  	v38 =	vld [tilespmem:s0+$0x0];
	v51 =	vmax.f32 v51, $0.0e+00;
	v3 =	vmin.f32 v13, v44;
	v59 =	vsub.f32 v44, v59  }
0x21e: {  	v40 =	vld [tilespmem:s0+$0x10];
	v44 =	vmin.f32 v14, v48;
	v3 =	vsub.f32 v3, v63;
	v48 =	vsub.f32 v48, v42  }
0x21f: {  	v33 =	vmul.f32 v54, v33;
	v49 =	vadd.f32 v49, v15;
	v42 =	vld [tilespmem:s0+$0x20];
	v2 =	vsub.f32 v44, v2  }
0x220: {  	v53 =	vmul.f32 v53, v55;
	v44 =	vld [tilespmem:s0+$0xFFFFFFC0];
	v3 =	vmax.f32 v3, $0.0e+00;
	v48 =	vmul.f32 v48, v59  }
0x221: {  	v54 =	vadd.f32 v45, v15;
	v55 =	vmul.f32 v60, v57;
	v2 =	vmax.f32 v2, $0.0e+00  }
0x222: {  	v46 =	vadd.f32 v46, v15;
	v57 =	vadd.f32 v43, v15;
	v56 =	vmul.f32 v61, v56  }
0x223: {  	v52 =	vmul.f32 v52, v62;
	v45 =	vmul.f32 v51, v58;
	v59 =	vadd.f32 v47, v15  }
0x224: {  	v50 =	vadd.f32 v50, v15;
	v43 =	vmul.f32 v2, v3;
	v2 =	vadd.f32 v48, v15  }
0x225: {  	v47 =	vmul.f32 v39, v18;
	v18 =	vmovc v53;
	v3 =	vsub.f32 v49, v33;
	v48 =	vsub.f32 v54, v53  }
0x226: {  	v39 =	vsub.f32 v46, v55;
	v46 =	vmul.f32 v41, v20;
	v20 =	vmovc v55;
	v49 =	vsub.f32 v57, v56  }
.Ltmp21:
0x227: {  	v41 =	vsub.f32 v59, v52;
	v53 =	vsub.f32 v50, v45;
	v3 =	vmax.f32 v3, $9.999999710e-10;
	(pc) =	sbr.rel @p1 .LBB2_28-.Ltmp21, $4  }
0x228: {  	v51 =	vmax.f32 v39, $9.999999710e-10;
	v54 =	vmax.f32 v48, $9.999999710e-10;
	v2 =	vsub.f32 v2, v43  }
0x229: {  	v50 =	vmax.f32 v49, $9.999999710e-10;
	v49 =	vmax.f32 v41, $9.999999710e-10;
	v48 =	vmax.f32 v53, $9.999999710e-10  }
0x22a: {  	v32 =	vmul.f32 v32, v21;
	v21 =	vmovc v56;
	v39 =	vmax.f32 v2, $9.999999710e-10;
	(erf) = vrcp.f32 v3  }
0x22b: {  	vm1 =	vgt.f32 v31, $8.000000110e-01;
	v31 =	vmul.f32 v35, v19;
	s1 =	sadd.s32 $0x80, s1;
	v19 =	vmovc v52;
	(erf) = vrcp.f32 v54  }
0x22c: {  	(erf) = vrcp.f32 v51  }
0x22d: {  	(erf) = vrcp.f32 v50  }
0x22e: {  	(erf) = vrcp.f32 v49  }
0x22f: {  	(erf) = vrcp.f32 v48  }
0x230: {  	vm0 =	vgt.f32 v47, $8.000000110e-01;
	vm4 =	vgt.f32 v46, $8.000000110e-01  }
0x231: {  	v2 =	vsel vm1, $0xF149F2CA, v28;
	v11 =	vsel vm4, $0xF149F2CA, v25;
	(erf) = vrcp.f32 v39  }
0x232: {  	v3 =	vsel vm0, $0xF149F2CA, v22;
	[tilespmem:s25+$0xFFFFFFC0] =	vst v2;
	v2 =	vmul.f32 v29, v16  }
0x233: {  	vm5 =	vgt.f32 v32, $8.000000110e-01;
	vm6 =	vgt.f32 v31, $8.000000110e-01;
	[tilespmem:s25+$0xFFFFFFD0] =	vst v3;
	v3 =	vmul.f32 v30, v17;
	v13 =	vpop (erf)  }
0x234: {  	[tilespmem:s25+$0xFFFFFFE0] =	vst v11;
	vm7 =	vgt.f32 v2, $8.000000110e-01;
	v2 =	vsel vm6, $0xF149F2CA, v27;
	v11 =	vpop (erf);
	v60 =	vmul.f32 v13, v33  }
0x235: {  	v12 =	vsel vm5, $0xF149F2CA, v26;
	vm8 =	vgt.f32 v3, $8.000000110e-01;
	[tilespmem:s25+$0x0] =	vst v2;
	v61 =	vpop (erf);
	v2 =	vmul.f32 v11, v18  }
0x236: {  	[tilespmem:s25+$0xFFFFFFF0] =	vst v12;
	v3 =	vsel vm7, $0xF149F2CA, v23;
	v11 =	vsel vm8, $0xF149F2CA, v24;
	v14 =	vpop (erf);
	vm9 =	vgt.f32 v60, $8.000000110e-01  }
0x237: {  	[tilespmem:s25+$0x10] =	vst v3;
	v3 =	vmul.f32 v61, v20;
	v62 =	vpop (erf);
	vm10 =	vgt.f32 v2, $8.000000110e-01;
	v2 =	vsel vm9, $0xF149F2CA, v44  }
0x238: {  	[tilespmem:s25+$0x20] =	vst v11;
	v11 =	vmul.f32 v14, v21;
	v63 =	vpop (erf);
	v12 =	vmul.f32 v62, v19  }
0x239: {  	s28 =	sadd.s32 $0x1, s28;
	vm11 =	vgt.f32 v3, $8.000000110e-01;
	v3 =	vsel vm10, $0xF149F2CA, v36;
	[tilespmem:s0+$0xFFFFFFC0] =	vst v2;
	v13 =	vmul.f32 v63, v45  }
0x23a: {  	p1 =	seq.s32 s28, s24;
	vm12 =	vgt.f32 v11, $8.000000110e-01;
	v11 =	vsel vm11, $0xF149F2CA, v34;
	[tilespmem:s0+$0xFFFFFFD0] =	vst v3;
	v2 =	vpop (erf);
	vm13 =	vgt.f32 v12, $8.000000110e-01  }
.Ltmp22:
0x23b: {  	v3 =	vsel vm12, $0xF149F2CA, v37;
	[tilespmem:s0+$0xFFFFFFE0] =	vst v11;
	v2 =	vmul.f32 v2, v43;
	(pc) =	sbr.rel @!p1 .LBB2_27-.Ltmp22, $4  }
0x23c: {  	vm14 =	vgt.f32 v13, $8.000000110e-01;
	v11 =	vsel vm13, $0xF149F2CA, v38;
	[tilespmem:s0+$0xFFFFFFF0] =	vst v3  }
0x23d: {  	[tilespmem:s0+$0x0] =	vst v11;
	vm15 =	vgt.f32 v2, $8.000000110e-01;
	v2 =	vsel vm14, $0xF149F2CA, v40  }
0x23e: {  	v3 =	vsel vm15, $0xF149F2CA, v42;
	[tilespmem:s0+$0x10] =	vst v2  }
0x23f: {  	[tilespmem:s0+$0x20] =	vst v3  }
.Ltmp23:
0x240: {  	(pc) =	sbr.rel .LBB2_3-.Ltmp23, $2  }
0x241: {  	_ =	sdelay $0x2  }
0x242: {  	s25 =	smov.u32 s26  }
.LBB2_31:
0x243: {  	_ =	sfence.sel @p0 $0x180000  }
0x244: {  	[bflag:$0x0] =	sbarrier.arrive @p0 $0xFFFF  }
0x245: {  	_ =	strace @p0 $0x90000047  }
0x246: {  	[bflag:$0x2] =	sbarrier.arrive @p0 $0xFFFF  }
0x247: {  	s0 =	simm.s32 @!p0 $0x0;
	s1 =	simm.s32 @!p0 $0x2180;
	s2 =	rddreg [dreg:$0x3]  }
0x248: {  	[hbm4b:s2+s0] =	stream.linear.scatter @!p0 [tilespmem:s1], [sflag:$0x1], $0x680, $0x38;
	[tilespmem:$0x2860] =	vst v63  }
0x249: {  	s0 =	simm.s32 @!p0 $0x1  }
0x24a: {  	_ =	swait.ge @!p0 [sflag:s0], $0x680  }
0x24b: {  	[sflag:s0] =	ssyncset.done @!p0 $0x0  }
0x24c: {  	[sflag:s0] =	ssyncadd.s32 @!p0 $0xFFFFF980  }
0x24d: {  	_ =	sfence.sel @!p0 $0x180000  }
0x24e: {  	[bflag:$0x0] =	sbarrier.arrive @!p0 $0xFFFF  }
0x24f: {  	_ =	strace @!p0 $0x90000047  }
0x250: {  	[bflag:$0x2] =	sbarrier.arrive @!p0 $0xFFFF  }
0x251: {  	s0 =	rddreg [dreg:$0x2]  }
0x252: {  	s0 =	sadd.s32 @!p0 $0x100000, s0  }
0x253: {  	[sflag:s0] =	ssyncadd.tile.s32 @!p0 $0x1;
	_ =	shalt  }
.Lfunc_end2:
_tile_overlayer_lowered:
.L_overlay_start_2:
0x254: {  	(tag) =	ssettag $0x2  }
0x255: {  	s0 =	rddreg [dreg:$0x0];
	s2 =	stileid.u32  }
0x256: {  	s1 =	rddreg [dreg:$0x1];
	p0 =	sne.s32 s2, $0x0  }
0x257: {  	s3 =	rddreg [dreg:$0x2];
	[bflag:$0x3] =	sbarrier.arrive $0xFFFF;
	s2 =	simm.s32 @!p0 $0x1C01  }
0x258: {  	[timem:s3], [sflag:s2] =	dma.local @!p0 [hbm:s0], s1  }
0x259: {  	s0 =	simm.s32 @!p0 $0x1  }
0x25a: {  	_ =	swait.ge @!p0 [sflag:s0], s1  }
0x25b: {  	s1 =	ssub.s32 @!p0 $0x0, s1;
	[sflag:s0] =	ssyncset.done @!p0 $0x0  }
0x25c: {  	[sflag:s0] =	ssyncadd.s32 @!p0 s1  }
0x25d: {  	[bflag:$0x3] =	sbarrier.arrive $0xFFFF  }
0x25e: {  	_ =	shalt  }

</sc_bundles>
